<compile_context>
chip_gen: v7x
topology: tpu7x:2x2x1
jax: 0.10.2.dev20260603
libtpu: 0.0.44.dev20260713+nightly
codegen_flags: <defaults>
</compile_context>

<pallas_src>
import functools

import jax
import jax.numpy as jnp
from jax import lax
from jax.experimental import pallas as pl
from jax.experimental.pallas import tpu as pltpu
from jax.experimental.pallas import tpu_sc as plsc

EMBED_DIM = 128
NUM_ROWS = 100
BATCH = 16384

_info = plsc.get_sparse_core_info()
_NC, _NS = _info.num_cores, _info.num_subcores
_NW = _NC * _NS
_BPW = BATCH // _NW
_CHUNK = 64
_NCHUNK = _BPW // _CHUNK


def _project_body(t_ref, w_ref, b_ref, o_ref):
    o_ref[...] = lax.dot_general(
        t_ref[...], w_ref[...],
        dimension_numbers=(((1,), (1,)), ((), ())),
        preferred_element_type=jnp.float32,
        precision=lax.Precision.HIGHEST,
    ) + b_ref[...]


def _project(table, W, b2d):
    return pl.pallas_call(
        _project_body,
        out_shape=jax.ShapeDtypeStruct((table.shape[0], EMBED_DIM), jnp.float32),
    )(table, W, b2d)


_mesh = plsc.VectorSubcoreMesh(core_axis_name="c", subcore_axis_name="s")


@functools.partial(
    pl.kernel,
    out_type=jax.ShapeDtypeStruct((BATCH, EMBED_DIM), jnp.float32),
    mesh=_mesh,
    scratch_types=[
        pltpu.VMEM((_BPW,), jnp.int32),
        pltpu.VMEM((_BPW, EMBED_DIM), jnp.float32),
        pltpu.VMEM_SHARED((NUM_ROWS, EMBED_DIM), jnp.float32),
        [pltpu.SemaphoreType.DMA] * _NCHUNK,
        pltpu.SemaphoreType.DMA,
        pltpu.SemaphoreType.DMA,
    ],
)
def _gather(idx_hbm, ptab_hbm, out_hbm, idx_v, rows_v, stab, gsems, osem, tsem):
    wid = lax.axis_index("s") * _NC + lax.axis_index("c")
    base = wid * _BPW
    stage = lax.axis_index("s") == 0
    @pl.when(stage)
    def _():
        pltpu.make_async_copy(ptab_hbm, stab, tsem).start()
    pltpu.sync_copy(idx_hbm.at[pl.ds(base, _BPW)], idx_v)
    @pl.when(stage)
    def _():
        pltpu.make_async_copy(ptab_hbm, stab, tsem).wait()
    plsc.subcore_barrier()
    gathers = [
        pltpu.make_async_copy(
            stab.at[idx_v.at[pl.ds(j * _CHUNK, _CHUNK)]],
            rows_v.at[pl.ds(j * _CHUNK, _CHUNK)],
            gsems[j],
        )
        for j in range(_NCHUNK)
    ]
    stores = [
        pltpu.make_async_copy(
            rows_v.at[pl.ds(j * _CHUNK, _CHUNK)],
            out_hbm.at[pl.ds(base + j * _CHUNK, _CHUNK)],
            osem,
        )
        for j in range(_NCHUNK)
    ]
    for g in gathers:
        g.start()
    for j in range(_NCHUNK):
        gathers[j].wait()
        stores[j].start()
    for s in stores:
        s.wait()


def kernel(type_info, type_embeddings, W, b):
    idx = type_info.astype(jnp.int32)
    ptab = _project(type_embeddings, W, b.reshape(1, EMBED_DIM))
    return _gather(idx, ptab)

# --- scband reference (transcript-rebuilt; emitter-appended) ---
"""Pipeline reference for scband-type-embedder-44066364456964 (READ-ONLY COPY).

The authoritative reference and input builder live on the scoring server;
editing this copy changes nothing except your own understanding.
"""

import jax, jax.numpy as jnp
import numpy as np

EMBED_DIM = 128
NUM_TYPES = 100
BATCH = 16384


def setup_inputs(seed: int = 0) -> dict:
    key = jax.random.key(seed)
    k_idx, k_tab, k_w = jax.random.split(key, 3)
    type_info = jax.random.randint(k_idx, (BATCH,), 0, NUM_TYPES, dtype=jnp.int64 if jax.config.jax_enable_x64 else jnp.int32)
    type_embeddings = jax.random.normal(k_tab, (NUM_TYPES, EMBED_DIM), dtype=jnp.float32)
    W = jax.random.normal(k_w, (EMBED_DIM, EMBED_DIM), dtype=jnp.float32) * (1.0 / np.sqrt(EMBED_DIM))
    b = jnp.zeros((EMBED_DIM,), dtype=jnp.float32)
    return {"type_info": type_info, "type_embeddings": type_embeddings, "W": W, "b": b}


def reference(type_info, type_embeddings, W, b):
    # Embedding lookup: gather rows of the type table (SparseCore gather)
    type_embedding = jnp.take(type_embeddings, type_info, axis=0)  # [B, D]
    # Linear projection (nn.Linear: x @ W^T + b)
    out = type_embedding @ W.T + b
    return out

if __name__ == "__main__":
    import jax
    _d = setup_inputs()
    print(jax.jit(kernel)(*tuple(_d.values())))

</pallas_src>

<mosaic_0001>
#map = affine_map<(d0, d1) -> (0)>
#map1 = affine_map<(d0, d1) -> (0, 0)>
module attributes {stable_mosaic.version = 14 : i64} {
  func.func @_gather(%arg0: i32, %arg1: i32, %arg2: memref<16384xi32, #tpu.memory_space<hbm>>, %arg3: memref<100x128xf32, #tpu.memory_space<hbm>>, %arg4: memref<16384x128xf32, #tpu.memory_space<hbm>>, %arg5: memref<512xi32, #tpu.memory_space<vmem>>, %arg6: memref<512x128xf32, #tpu.memory_space<vmem>>, %arg7: memref<100x128xf32, #tpu.memory_space<vmem_shared>>, %arg8: memref<!tpu.dma_semaphore, #tpu.memory_space<semaphore_mem>>, %arg9: memref<!tpu.dma_semaphore, #tpu.memory_space<semaphore_mem>>, %arg10: memref<!tpu.dma_semaphore, #tpu.memory_space<semaphore_mem>>, %arg11: memref<!tpu.dma_semaphore, #tpu.memory_space<semaphore_mem>>, %arg12: memref<!tpu.dma_semaphore, #tpu.memory_space<semaphore_mem>>, %arg13: memref<!tpu.dma_semaphore, #tpu.memory_space<semaphore_mem>>, %arg14: memref<!tpu.dma_semaphore, #tpu.memory_space<semaphore_mem>>, %arg15: memref<!tpu.dma_semaphore, #tpu.memory_space<semaphore_mem>>, %arg16: memref<!tpu.dma_semaphore, #tpu.memory_space<semaphore_mem>>, %arg17: memref<!tpu.dma_semaphore, #tpu.memory_space<semaphore_mem>>) attributes {dimension_semantics = [#tpu.dimension_semantics<core_parallel>, #tpu.dimension_semantics<subcore_parallel>], iteration_bounds = array<i64: 2, 16>, scalar_prefetch = 0 : i64, scratch_operands = 13 : i64, tpu.core_type = #tpu.core_type<sc_vector_subcore>, window_params = [{transform_indices = #map}, {transform_indices = #map1}, {transform_indices = #map1}]} {
    %mul3A = arith.constant 2 : i32
    %mul3A_0 = arith.muli %arg1, %mul3A : i32
    %add3A = arith.addi %mul3A_0, %arg0 : i32
    %mul3A_1 = arith.constant 512 : i32
    %mul3A_2 = arith.muli %add3A, %mul3A_1 : i32
    %eq3A = arith.constant 0 : i32
    %eq3A_3 = arith.cmpi eq, %arg1, %eq3A : i32
    %convert_element_type3A = arith.extui %eq3A_3 : i1 to i32
    %cond3A = arith.constant 0 : i32
    %cond3A_4 = arith.cmpi ne, %convert_element_type3A, %cond3A : i32
    scf.if %cond3A_4 {
      tpu.enqueue_dma source(%arg3 : memref<100x128xf32, #tpu.memory_space<hbm>>) target(%arg7 : memref<100x128xf32, #tpu.memory_space<vmem_shared>>) target_semaphore(%arg17 : memref<!tpu.dma_semaphore, #tpu.memory_space<semaphore_mem>>)
    } else {
    }
    "tpu.region"() ({
      %run_scoped3A = tpu.sem_alloc : memref<!tpu.dma_semaphore, #tpu.memory_space<semaphore_mem>>
      %dma_start3A_310 = tpu.memref_slice %arg2[%mul3A_2] : memref<16384xi32, #tpu.memory_space<hbm>> -> memref<512xi32, #tpu.memory_space<hbm>>
      %dma_start3A_311 = tpu.memref_slice %arg2[%mul3A_2] : memref<16384xi32, #tpu.memory_space<hbm>> -> memref<512xi32, #tpu.memory_space<hbm>>
      tpu.enqueue_dma source(%dma_start3A_311 : memref<512xi32, #tpu.memory_space<hbm>>) target(%arg5 : memref<512xi32, #tpu.memory_space<vmem>>) target_semaphore(%run_scoped3A : memref<!tpu.dma_semaphore, #tpu.memory_space<semaphore_mem>>)
      %dma_wait3A_312 = tpu.memref_slice %arg2[%mul3A_2] : memref<16384xi32, #tpu.memory_space<hbm>> -> memref<512xi32, #tpu.memory_space<hbm>>
      %dma_wait3A_313 = tpu.memref_slice %arg2[%mul3A_2] : memref<16384xi32, #tpu.memory_space<hbm>> -> memref<512xi32, #tpu.memory_space<hbm>>
      tpu.wait_dma2 semaphore(%run_scoped3A : memref<!tpu.dma_semaphore, #tpu.memory_space<semaphore_mem>>) src(%dma_wait3A_313 : memref<512xi32, #tpu.memory_space<hbm>>) dst(%arg5 : memref<512xi32, #tpu.memory_space<vmem>>)
      tpu.yield
    }) : () -> ()
    %convert_element_type3A_5 = arith.extui %eq3A_3 : i1 to i32
    %cond3A_6 = arith.constant 0 : i32
    %cond3A_7 = arith.cmpi ne, %convert_element_type3A_5, %cond3A_6 : i32
    scf.if %cond3A_7 {
      tpu.wait_dma2 semaphore(%arg17 : memref<!tpu.dma_semaphore, #tpu.memory_space<semaphore_mem>>) src(%arg3 : memref<100x128xf32, #tpu.memory_space<hbm>>) dst(%arg7 : memref<100x128xf32, #tpu.memory_space<vmem_shared>>)
    } else {
    }
    %barrier3A = arith.constant 0 : index
    tpu.barrier barrier_id(%barrier3A)
    %add3A_8 = arith.constant 0 : i32
    %add3A_9 = arith.addi %mul3A_2, %add3A_8 : i32
    %add3A_10 = arith.constant 64 : i32
    %add3A_11 = arith.addi %mul3A_2, %add3A_10 : i32
    %add3A_12 = arith.constant 128 : i32
    %add3A_13 = arith.addi %mul3A_2, %add3A_12 : i32
    %add3A_14 = arith.constant 192 : i32
    %add3A_15 = arith.addi %mul3A_2, %add3A_14 : i32
    %add3A_16 = arith.constant 256 : i32
    %add3A_17 = arith.addi %mul3A_2, %add3A_16 : i32
    %add3A_18 = arith.constant 320 : i32
    %add3A_19 = arith.addi %mul3A_2, %add3A_18 : i32
    %add3A_20 = arith.constant 384 : i32
    %add3A_21 = arith.addi %mul3A_2, %add3A_20 : i32
    %add3A_22 = arith.constant 448 : i32
    %add3A_23 = arith.addi %mul3A_2, %add3A_22 : i32
    %dma_start3A = arith.constant 0 : i32
    %dma_start3A_24 = arith.constant 0 : i32
    %dma_start3A_25 = tpu.memref_slice %arg6[%dma_start3A, %dma_start3A_24] : memref<512x128xf32, #tpu.memory_space<vmem>> -> memref<64x128xf32, #tpu.memory_space<vmem>>
    %dma_start3A_26 = arith.constant 0 : i32
    %dma_start3A_27 = tpu.memref_slice %arg5[%dma_start3A_26] : memref<512xi32, #tpu.memory_space<vmem>> -> memref<64xi32, #tpu.memory_space<vmem>>
    %dma_start3A_28 = arith.constant 0 : i32
    %dma_start3A_29 = arith.constant 0 : i32
    %dma_start3A_30 = tpu.memref_slice %arg7[%dma_start3A_28, %dma_start3A_29] : memref<100x128xf32, #tpu.memory_space<vmem_shared>> -> memref<100x128xf32, #tpu.memory_space<vmem_shared>>
    tpu.enqueue_indirect_dma source(%dma_start3A_30 : memref<100x128xf32, #tpu.memory_space<vmem_shared>>) target(%dma_start3A_25 : memref<64x128xf32, #tpu.memory_space<vmem>>) offsets(%dma_start3A_27 : memref<64xi32, #tpu.memory_space<vmem>>) semaphore(%arg8 : memref<!tpu.dma_semaphore, #tpu.memory_space<semaphore_mem>>)
    %dma_start3A_31 = arith.constant 64 : i32
    %dma_start3A_32 = arith.constant 0 : i32
    %dma_start3A_33 = tpu.memref_slice %arg6[%dma_start3A_31, %dma_start3A_32] : memref<512x128xf32, #tpu.memory_space<vmem>> -> memref<64x128xf32, #tpu.memory_space<vmem>>
    %dma_start3A_34 = arith.constant 64 : i32
    %dma_start3A_35 = tpu.memref_slice %arg5[%dma_start3A_34] : memref<512xi32, #tpu.memory_space<vmem>> -> memref<64xi32, #tpu.memory_space<vmem>>
    %dma_start3A_36 = arith.constant 0 : i32
    %dma_start3A_37 = arith.constant 0 : i32
    %dma_start3A_38 = tpu.memref_slice %arg7[%dma_start3A_36, %dma_start3A_37] : memref<100x128xf32, #tpu.memory_space<vmem_shared>> -> memref<100x128xf32, #tpu.memory_space<vmem_shared>>
    tpu.enqueue_indirect_dma source(%dma_start3A_38 : memref<100x128xf32, #tpu.memory_space<vmem_shared>>) target(%dma_start3A_33 : memref<64x128xf32, #tpu.memory_space<vmem>>) offsets(%dma_start3A_35 : memref<64xi32, #tpu.memory_space<vmem>>) semaphore(%arg9 : memref<!tpu.dma_semaphore, #tpu.memory_space<semaphore_mem>>)
    %dma_start3A_39 = arith.constant 128 : i32
    %dma_start3A_40 = arith.constant 0 : i32
    %dma_start3A_41 = tpu.memref_slice %arg6[%dma_start3A_39, %dma_start3A_40] : memref<512x128xf32, #tpu.memory_space<vmem>> -> memref<64x128xf32, #tpu.memory_space<vmem>>
    %dma_start3A_42 = arith.constant 128 : i32
    %dma_start3A_43 = tpu.memref_slice %arg5[%dma_start3A_42] : memref<512xi32, #tpu.memory_space<vmem>> -> memref<64xi32, #tpu.memory_space<vmem>>
    %dma_start3A_44 = arith.constant 0 : i32
    %dma_start3A_45 = arith.constant 0 : i32
    %dma_start3A_46 = tpu.memref_slice %arg7[%dma_start3A_44, %dma_start3A_45] : memref<100x128xf32, #tpu.memory_space<vmem_shared>> -> memref<100x128xf32, #tpu.memory_space<vmem_shared>>
    tpu.enqueue_indirect_dma source(%dma_start3A_46 : memref<100x128xf32, #tpu.memory_space<vmem_shared>>) target(%dma_start3A_41 : memref<64x128xf32, #tpu.memory_space<vmem>>) offsets(%dma_start3A_43 : memref<64xi32, #tpu.memory_space<vmem>>) semaphore(%arg10 : memref<!tpu.dma_semaphore, #tpu.memory_space<semaphore_mem>>)
    %dma_start3A_47 = arith.constant 192 : i32
    %dma_start3A_48 = arith.constant 0 : i32
    %dma_start3A_49 = tpu.memref_slice %arg6[%dma_start3A_47, %dma_start3A_48] : memref<512x128xf32, #tpu.memory_space<vmem>> -> memref<64x128xf32, #tpu.memory_space<vmem>>
    %dma_start3A_50 = arith.constant 192 : i32
    %dma_start3A_51 = tpu.memref_slice %arg5[%dma_start3A_50] : memref<512xi32, #tpu.memory_space<vmem>> -> memref<64xi32, #tpu.memory_space<vmem>>
    %dma_start3A_52 = arith.constant 0 : i32
    %dma_start3A_53 = arith.constant 0 : i32
    %dma_start3A_54 = tpu.memref_slice %arg7[%dma_start3A_52, %dma_start3A_53] : memref<100x128xf32, #tpu.memory_space<vmem_shared>> -> memref<100x128xf32, #tpu.memory_space<vmem_shared>>
    tpu.enqueue_indirect_dma source(%dma_start3A_54 : memref<100x128xf32, #tpu.memory_space<vmem_shared>>) target(%dma_start3A_49 : memref<64x128xf32, #tpu.memory_space<vmem>>) offsets(%dma_start3A_51 : memref<64xi32, #tpu.memory_space<vmem>>) semaphore(%arg11 : memref<!tpu.dma_semaphore, #tpu.memory_space<semaphore_mem>>)
    %dma_start3A_55 = arith.constant 256 : i32
    %dma_start3A_56 = arith.constant 0 : i32
    %dma_start3A_57 = tpu.memref_slice %arg6[%dma_start3A_55, %dma_start3A_56] : memref<512x128xf32, #tpu.memory_space<vmem>> -> memref<64x128xf32, #tpu.memory_space<vmem>>
    %dma_start3A_58 = arith.constant 256 : i32
    %dma_start3A_59 = tpu.memref_slice %arg5[%dma_start3A_58] : memref<512xi32, #tpu.memory_space<vmem>> -> memref<64xi32, #tpu.memory_space<vmem>>
    %dma_start3A_60 = arith.constant 0 : i32
    %dma_start3A_61 = arith.constant 0 : i32
    %dma_start3A_62 = tpu.memref_slice %arg7[%dma_start3A_60, %dma_start3A_61] : memref<100x128xf32, #tpu.memory_space<vmem_shared>> -> memref<100x128xf32, #tpu.memory_space<vmem_shared>>
    tpu.enqueue_indirect_dma source(%dma_start3A_62 : memref<100x128xf32, #tpu.memory_space<vmem_shared>>) target(%dma_start3A_57 : memref<64x128xf32, #tpu.memory_space<vmem>>) offsets(%dma_start3A_59 : memref<64xi32, #tpu.memory_space<vmem>>) semaphore(%arg12 : memref<!tpu.dma_semaphore, #tpu.memory_space<semaphore_mem>>)
    %dma_start3A_63 = arith.constant 320 : i32
    %dma_start3A_64 = arith.constant 0 : i32
    %dma_start3A_65 = tpu.memref_slice %arg6[%dma_start3A_63, %dma_start3A_64] : memref<512x128xf32, #tpu.memory_space<vmem>> -> memref<64x128xf32, #tpu.memory_space<vmem>>
    %dma_start3A_66 = arith.constant 320 : i32
    %dma_start3A_67 = tpu.memref_slice %arg5[%dma_start3A_66] : memref<512xi32, #tpu.memory_space<vmem>> -> memref<64xi32, #tpu.memory_space<vmem>>
    %dma_start3A_68 = arith.constant 0 : i32
    %dma_start3A_69 = arith.constant 0 : i32
    %dma_start3A_70 = tpu.memref_slice %arg7[%dma_start3A_68, %dma_start3A_69] : memref<100x128xf32, #tpu.memory_space<vmem_shared>> -> memref<100x128xf32, #tpu.memory_space<vmem_shared>>
    tpu.enqueue_indirect_dma source(%dma_start3A_70 : memref<100x128xf32, #tpu.memory_space<vmem_shared>>) target(%dma_start3A_65 : memref<64x128xf32, #tpu.memory_space<vmem>>) offsets(%dma_start3A_67 : memref<64xi32, #tpu.memory_space<vmem>>) semaphore(%arg13 : memref<!tpu.dma_semaphore, #tpu.memory_space<semaphore_mem>>)
    %dma_start3A_71 = arith.constant 384 : i32
    %dma_start3A_72 = arith.constant 0 : i32
    %dma_start3A_73 = tpu.memref_slice %arg6[%dma_start3A_71, %dma_start3A_72] : memref<512x128xf32, #tpu.memory_space<vmem>> -> memref<64x128xf32, #tpu.memory_space<vmem>>
    %dma_start3A_74 = arith.constant 384 : i32
    %dma_start3A_75 = tpu.memref_slice %arg5[%dma_start3A_74] : memref<512xi32, #tpu.memory_space<vmem>> -> memref<64xi32, #tpu.memory_space<vmem>>
    %dma_start3A_76 = arith.constant 0 : i32
    %dma_start3A_77 = arith.constant 0 : i32
    %dma_start3A_78 = tpu.memref_slice %arg7[%dma_start3A_76, %dma_start3A_77] : memref<100x128xf32, #tpu.memory_space<vmem_shared>> -> memref<100x128xf32, #tpu.memory_space<vmem_shared>>
    tpu.enqueue_indirect_dma source(%dma_start3A_78 : memref<100x128xf32, #tpu.memory_space<vmem_shared>>) target(%dma_start3A_73 : memref<64x128xf32, #tpu.memory_space<vmem>>) offsets(%dma_start3A_75 : memref<64xi32, #tpu.memory_space<vmem>>) semaphore(%arg14 : memref<!tpu.dma_semaphore, #tpu.memory_space<semaphore_mem>>)
    %dma_start3A_79 = arith.constant 448 : i32
    %dma_start3A_80 = arith.constant 0 : i32
    %dma_start3A_81 = tpu.memref_slice %arg6[%dma_start3A_79, %dma_start3A_80] : memref<512x128xf32, #tpu.memory_space<vmem>> -> memref<64x128xf32, #tpu.memory_space<vmem>>
    %dma_start3A_82 = arith.constant 448 : i32
    %dma_start3A_83 = tpu.memref_slice %arg5[%dma_start3A_82] : memref<512xi32, #tpu.memory_space<vmem>> -> memref<64xi32, #tpu.memory_space<vmem>>
    %dma_start3A_84 = arith.constant 0 : i32
    %dma_start3A_85 = arith.constant 0 : i32
    %dma_start3A_86 = tpu.memref_slice %arg7[%dma_start3A_84, %dma_start3A_85] : memref<100x128xf32, #tpu.memory_space<vmem_shared>> -> memref<100x128xf32, #tpu.memory_space<vmem_shared>>
    tpu.enqueue_indirect_dma source(%dma_start3A_86 : memref<100x128xf32, #tpu.memory_space<vmem_shared>>) target(%dma_start3A_81 : memref<64x128xf32, #tpu.memory_space<vmem>>) offsets(%dma_start3A_83 : memref<64xi32, #tpu.memory_space<vmem>>) semaphore(%arg15 : memref<!tpu.dma_semaphore, #tpu.memory_space<semaphore_mem>>)
    %dma_wait3A = arith.constant 0 : i32
    %dma_wait3A_87 = arith.constant 0 : i32
    %dma_wait3A_88 = tpu.memref_slice %arg6[%dma_wait3A, %dma_wait3A_87] : memref<512x128xf32, #tpu.memory_space<vmem>> -> memref<64x128xf32, #tpu.memory_space<vmem>>
    %dma_wait3A_89 = arith.constant 0 : i32
    %dma_wait3A_90 = tpu.memref_slice %arg5[%dma_wait3A_89] : memref<512xi32, #tpu.memory_space<vmem>> -> memref<64xi32, #tpu.memory_space<vmem>>
    %dma_wait3A_91 = arith.constant 0 : i32
    %dma_wait3A_92 = arith.constant 0 : i32
    %dma_wait3A_93 = tpu.memref_slice %arg7[%dma_wait3A_91, %dma_wait3A_92] : memref<100x128xf32, #tpu.memory_space<vmem_shared>> -> memref<100x128xf32, #tpu.memory_space<vmem_shared>>
    tpu.wait_indirect_dma semaphore(%arg8 : memref<!tpu.dma_semaphore, #tpu.memory_space<semaphore_mem>>) src(%dma_wait3A_93 : memref<100x128xf32, #tpu.memory_space<vmem_shared>>) dst(%dma_wait3A_88 : memref<64x128xf32, #tpu.memory_space<vmem>>)
    %dma_start3A_94 = arith.constant 0 : i32
    %dma_start3A_95 = arith.constant 0 : i32
    %dma_start3A_96 = tpu.memref_slice %arg6[%dma_start3A_94, %dma_start3A_95] : memref<512x128xf32, #tpu.memory_space<vmem>> -> memref<64x128xf32, #tpu.memory_space<vmem>>
    %dma_start3A_97 = arith.constant 0 : i32
    %dma_start3A_98 = tpu.memref_slice %arg4[%add3A_9, %dma_start3A_97] : memref<16384x128xf32, #tpu.memory_space<hbm>> -> memref<64x128xf32, #tpu.memory_space<hbm>>
    %dma_start3A_99 = arith.constant 0 : i32
    %dma_start3A_100 = tpu.memref_slice %arg4[%add3A_9, %dma_start3A_99] : memref<16384x128xf32, #tpu.memory_space<hbm>> -> memref<64x128xf32, #tpu.memory_space<hbm>>
    %dma_start3A_101 = arith.constant 0 : i32
    %dma_start3A_102 = arith.constant 0 : i32
    %dma_start3A_103 = tpu.memref_slice %arg6[%dma_start3A_101, %dma_start3A_102] : memref<512x128xf32, #tpu.memory_space<vmem>> -> memref<64x128xf32, #tpu.memory_space<vmem>>
    tpu.enqueue_dma source(%dma_start3A_103 : memref<64x128xf32, #tpu.memory_space<vmem>>) target(%dma_start3A_100 : memref<64x128xf32, #tpu.memory_space<hbm>>) target_semaphore(%arg16 : memref<!tpu.dma_semaphore, #tpu.memory_space<semaphore_mem>>)
    %dma_wait3A_104 = arith.constant 64 : i32
    %dma_wait3A_105 = arith.constant 0 : i32
    %dma_wait3A_106 = tpu.memref_slice %arg6[%dma_wait3A_104, %dma_wait3A_105] : memref<512x128xf32, #tpu.memory_space<vmem>> -> memref<64x128xf32, #tpu.memory_space<vmem>>
    %dma_wait3A_107 = arith.constant 64 : i32
    %dma_wait3A_108 = tpu.memref_slice %arg5[%dma_wait3A_107] : memref<512xi32, #tpu.memory_space<vmem>> -> memref<64xi32, #tpu.memory_space<vmem>>
    %dma_wait3A_109 = arith.constant 0 : i32
    %dma_wait3A_110 = arith.constant 0 : i32
    %dma_wait3A_111 = tpu.memref_slice %arg7[%dma_wait3A_109, %dma_wait3A_110] : memref<100x128xf32, #tpu.memory_space<vmem_shared>> -> memref<100x128xf32, #tpu.memory_space<vmem_shared>>
    tpu.wait_indirect_dma semaphore(%arg9 : memref<!tpu.dma_semaphore, #tpu.memory_space<semaphore_mem>>) src(%dma_wait3A_111 : memref<100x128xf32, #tpu.memory_space<vmem_shared>>) dst(%dma_wait3A_106 : memref<64x128xf32, #tpu.memory_space<vmem>>)
    %dma_start3A_112 = arith.constant 64 : i32
    %dma_start3A_113 = arith.constant 0 : i32
    %dma_start3A_114 = tpu.memref_slice %arg6[%dma_start3A_112, %dma_start3A_113] : memref<512x128xf32, #tpu.memory_space<vmem>> -> memref<64x128xf32, #tpu.memory_space<vmem>>
    %dma_start3A_115 = arith.constant 0 : i32
    %dma_start3A_116 = tpu.memref_slice %arg4[%add3A_11, %dma_start3A_115] : memref<16384x128xf32, #tpu.memory_space<hbm>> -> memref<64x128xf32, #tpu.memory_space<hbm>>
    %dma_start3A_117 = arith.constant 0 : i32
    %dma_start3A_118 = tpu.memref_slice %arg4[%add3A_11, %dma_start3A_117] : memref<16384x128xf32, #tpu.memory_space<hbm>> -> memref<64x128xf32, #tpu.memory_space<hbm>>
    %dma_start3A_119 = arith.constant 64 : i32
    %dma_start3A_120 = arith.constant 0 : i32
    %dma_start3A_121 = tpu.memref_slice %arg6[%dma_start3A_119, %dma_start3A_120] : memref<512x128xf32, #tpu.memory_space<vmem>> -> memref<64x128xf32, #tpu.memory_space<vmem>>
    tpu.enqueue_dma source(%dma_start3A_121 : memref<64x128xf32, #tpu.memory_space<vmem>>) target(%dma_start3A_118 : memref<64x128xf32, #tpu.memory_space<hbm>>) target_semaphore(%arg16 : memref<!tpu.dma_semaphore, #tpu.memory_space<semaphore_mem>>)
    %dma_wait3A_122 = arith.constant 128 : i32
    %dma_wait3A_123 = arith.constant 0 : i32
    %dma_wait3A_124 = tpu.memref_slice %arg6[%dma_wait3A_122, %dma_wait3A_123] : memref<512x128xf32, #tpu.memory_space<vmem>> -> memref<64x128xf32, #tpu.memory_space<vmem>>
    %dma_wait3A_125 = arith.constant 128 : i32
    %dma_wait3A_126 = tpu.memref_slice %arg5[%dma_wait3A_125] : memref<512xi32, #tpu.memory_space<vmem>> -> memref<64xi32, #tpu.memory_space<vmem>>
    %dma_wait3A_127 = arith.constant 0 : i32
    %dma_wait3A_128 = arith.constant 0 : i32
    %dma_wait3A_129 = tpu.memref_slice %arg7[%dma_wait3A_127, %dma_wait3A_128] : memref<100x128xf32, #tpu.memory_space<vmem_shared>> -> memref<100x128xf32, #tpu.memory_space<vmem_shared>>
    tpu.wait_indirect_dma semaphore(%arg10 : memref<!tpu.dma_semaphore, #tpu.memory_space<semaphore_mem>>) src(%dma_wait3A_129 : memref<100x128xf32, #tpu.memory_space<vmem_shared>>) dst(%dma_wait3A_124 : memref<64x128xf32, #tpu.memory_space<vmem>>)
    %dma_start3A_130 = arith.constant 128 : i32
    %dma_start3A_131 = arith.constant 0 : i32
    %dma_start3A_132 = tpu.memref_slice %arg6[%dma_start3A_130, %dma_start3A_131] : memref<512x128xf32, #tpu.memory_space<vmem>> -> memref<64x128xf32, #tpu.memory_space<vmem>>
    %dma_start3A_133 = arith.constant 0 : i32
    %dma_start3A_134 = tpu.memref_slice %arg4[%add3A_13, %dma_start3A_133] : memref<16384x128xf32, #tpu.memory_space<hbm>> -> memref<64x128xf32, #tpu.memory_space<hbm>>
    %dma_start3A_135 = arith.constant 0 : i32
    %dma_start3A_136 = tpu.memref_slice %arg4[%add3A_13, %dma_start3A_135] : memref<16384x128xf32, #tpu.memory_space<hbm>> -> memref<64x128xf32, #tpu.memory_space<hbm>>
    %dma_start3A_137 = arith.constant 128 : i32
    %dma_start3A_138 = arith.constant 0 : i32
    %dma_start3A_139 = tpu.memref_slice %arg6[%dma_start3A_137, %dma_start3A_138] : memref<512x128xf32, #tpu.memory_space<vmem>> -> memref<64x128xf32, #tpu.memory_space<vmem>>
    tpu.enqueue_dma source(%dma_start3A_139 : memref<64x128xf32, #tpu.memory_space<vmem>>) target(%dma_start3A_136 : memref<64x128xf32, #tpu.memory_space<hbm>>) target_semaphore(%arg16 : memref<!tpu.dma_semaphore, #tpu.memory_space<semaphore_mem>>)
    %dma_wait3A_140 = arith.constant 192 : i32
    %dma_wait3A_141 = arith.constant 0 : i32
    %dma_wait3A_142 = tpu.memref_slice %arg6[%dma_wait3A_140, %dma_wait3A_141] : memref<512x128xf32, #tpu.memory_space<vmem>> -> memref<64x128xf32, #tpu.memory_space<vmem>>
    %dma_wait3A_143 = arith.constant 192 : i32
    %dma_wait3A_144 = tpu.memref_slice %arg5[%dma_wait3A_143] : memref<512xi32, #tpu.memory_space<vmem>> -> memref<64xi32, #tpu.memory_space<vmem>>
    %dma_wait3A_145 = arith.constant 0 : i32
    %dma_wait3A_146 = arith.constant 0 : i32
    %dma_wait3A_147 = tpu.memref_slice %arg7[%dma_wait3A_145, %dma_wait3A_146] : memref<100x128xf32, #tpu.memory_space<vmem_shared>> -> memref<100x128xf32, #tpu.memory_space<vmem_shared>>
    tpu.wait_indirect_dma semaphore(%arg11 : memref<!tpu.dma_semaphore, #tpu.memory_space<semaphore_mem>>) src(%dma_wait3A_147 : memref<100x128xf32, #tpu.memory_space<vmem_shared>>) dst(%dma_wait3A_142 : memref<64x128xf32, #tpu.memory_space<vmem>>)
    %dma_start3A_148 = arith.constant 192 : i32
    %dma_start3A_149 = arith.constant 0 : i32
    %dma_start3A_150 = tpu.memref_slice %arg6[%dma_start3A_148, %dma_start3A_149] : memref<512x128xf32, #tpu.memory_space<vmem>> -> memref<64x128xf32, #tpu.memory_space<vmem>>
    %dma_start3A_151 = arith.constant 0 : i32
    %dma_start3A_152 = tpu.memref_slice %arg4[%add3A_15, %dma_start3A_151] : memref<16384x128xf32, #tpu.memory_space<hbm>> -> memref<64x128xf32, #tpu.memory_space<hbm>>
    %dma_start3A_153 = arith.constant 0 : i32
    %dma_start3A_154 = tpu.memref_slice %arg4[%add3A_15, %dma_start3A_153] : memref<16384x128xf32, #tpu.memory_space<hbm>> -> memref<64x128xf32, #tpu.memory_space<hbm>>
    %dma_start3A_155 = arith.constant 192 : i32
    %dma_start3A_156 = arith.constant 0 : i32
    %dma_start3A_157 = tpu.memref_slice %arg6[%dma_start3A_155, %dma_start3A_156] : memref<512x128xf32, #tpu.memory_space<vmem>> -> memref<64x128xf32, #tpu.memory_space<vmem>>
    tpu.enqueue_dma source(%dma_start3A_157 : memref<64x128xf32, #tpu.memory_space<vmem>>) target(%dma_start3A_154 : memref<64x128xf32, #tpu.memory_space<hbm>>) target_semaphore(%arg16 : memref<!tpu.dma_semaphore, #tpu.memory_space<semaphore_mem>>)
    %dma_wait3A_158 = arith.constant 256 : i32
    %dma_wait3A_159 = arith.constant 0 : i32
    %dma_wait3A_160 = tpu.memref_slice %arg6[%dma_wait3A_158, %dma_wait3A_159] : memref<512x128xf32, #tpu.memory_space<vmem>> -> memref<64x128xf32, #tpu.memory_space<vmem>>
    %dma_wait3A_161 = arith.constant 256 : i32
    %dma_wait3A_162 = tpu.memref_slice %arg5[%dma_wait3A_161] : memref<512xi32, #tpu.memory_space<vmem>> -> memref<64xi32, #tpu.memory_space<vmem>>
    %dma_wait3A_163 = arith.constant 0 : i32
    %dma_wait3A_164 = arith.constant 0 : i32
    %dma_wait3A_165 = tpu.memref_slice %arg7[%dma_wait3A_163, %dma_wait3A_164] : memref<100x128xf32, #tpu.memory_space<vmem_shared>> -> memref<100x128xf32, #tpu.memory_space<vmem_shared>>
    tpu.wait_indirect_dma semaphore(%arg12 : memref<!tpu.dma_semaphore, #tpu.memory_space<semaphore_mem>>) src(%dma_wait3A_165 : memref<100x128xf32, #tpu.memory_space<vmem_shared>>) dst(%dma_wait3A_160 : memref<64x128xf32, #tpu.memory_space<vmem>>)
    %dma_start3A_166 = arith.constant 256 : i32
    %dma_start3A_167 = arith.constant 0 : i32
    %dma_start3A_168 = tpu.memref_slice %arg6[%dma_start3A_166, %dma_start3A_167] : memref<512x128xf32, #tpu.memory_space<vmem>> -> memref<64x128xf32, #tpu.memory_space<vmem>>
    %dma_start3A_169 = arith.constant 0 : i32
    %dma_start3A_170 = tpu.memref_slice %arg4[%add3A_17, %dma_start3A_169] : memref<16384x128xf32, #tpu.memory_space<hbm>> -> memref<64x128xf32, #tpu.memory_space<hbm>>
    %dma_start3A_171 = arith.constant 0 : i32
    %dma_start3A_172 = tpu.memref_slice %arg4[%add3A_17, %dma_start3A_171] : memref<16384x128xf32, #tpu.memory_space<hbm>> -> memref<64x128xf32, #tpu.memory_space<hbm>>
    %dma_start3A_173 = arith.constant 256 : i32
    %dma_start3A_174 = arith.constant 0 : i32
    %dma_start3A_175 = tpu.memref_slice %arg6[%dma_start3A_173, %dma_start3A_174] : memref<512x128xf32, #tpu.memory_space<vmem>> -> memref<64x128xf32, #tpu.memory_space<vmem>>
    tpu.enqueue_dma source(%dma_start3A_175 : memref<64x128xf32, #tpu.memory_space<vmem>>) target(%dma_start3A_172 : memref<64x128xf32, #tpu.memory_space<hbm>>) target_semaphore(%arg16 : memref<!tpu.dma_semaphore, #tpu.memory_space<semaphore_mem>>)
    %dma_wait3A_176 = arith.constant 320 : i32
    %dma_wait3A_177 = arith.constant 0 : i32
    %dma_wait3A_178 = tpu.memref_slice %arg6[%dma_wait3A_176, %dma_wait3A_177] : memref<512x128xf32, #tpu.memory_space<vmem>> -> memref<64x128xf32, #tpu.memory_space<vmem>>
    %dma_wait3A_179 = arith.constant 320 : i32
    %dma_wait3A_180 = tpu.memref_slice %arg5[%dma_wait3A_179] : memref<512xi32, #tpu.memory_space<vmem>> -> memref<64xi32, #tpu.memory_space<vmem>>
    %dma_wait3A_181 = arith.constant 0 : i32
    %dma_wait3A_182 = arith.constant 0 : i32
    %dma_wait3A_183 = tpu.memref_slice %arg7[%dma_wait3A_181, %dma_wait3A_182] : memref<100x128xf32, #tpu.memory_space<vmem_shared>> -> memref<100x128xf32, #tpu.memory_space<vmem_shared>>
    tpu.wait_indirect_dma semaphore(%arg13 : memref<!tpu.dma_semaphore, #tpu.memory_space<semaphore_mem>>) src(%dma_wait3A_183 : memref<100x128xf32, #tpu.memory_space<vmem_shared>>) dst(%dma_wait3A_178 : memref<64x128xf32, #tpu.memory_space<vmem>>)
    %dma_start3A_184 = arith.constant 320 : i32
    %dma_start3A_185 = arith.constant 0 : i32
    %dma_start3A_186 = tpu.memref_slice %arg6[%dma_start3A_184, %dma_start3A_185] : memref<512x128xf32, #tpu.memory_space<vmem>> -> memref<64x128xf32, #tpu.memory_space<vmem>>
    %dma_start3A_187 = arith.constant 0 : i32
    %dma_start3A_188 = tpu.memref_slice %arg4[%add3A_19, %dma_start3A_187] : memref<16384x128xf32, #tpu.memory_space<hbm>> -> memref<64x128xf32, #tpu.memory_space<hbm>>
    %dma_start3A_189 = arith.constant 0 : i32
    %dma_start3A_190 = tpu.memref_slice %arg4[%add3A_19, %dma_start3A_189] : memref<16384x128xf32, #tpu.memory_space<hbm>> -> memref<64x128xf32, #tpu.memory_space<hbm>>
    %dma_start3A_191 = arith.constant 320 : i32
    %dma_start3A_192 = arith.constant 0 : i32
    %dma_start3A_193 = tpu.memref_slice %arg6[%dma_start3A_191, %dma_start3A_192] : memref<512x128xf32, #tpu.memory_space<vmem>> -> memref<64x128xf32, #tpu.memory_space<vmem>>
    tpu.enqueue_dma source(%dma_start3A_193 : memref<64x128xf32, #tpu.memory_space<vmem>>) target(%dma_start3A_190 : memref<64x128xf32, #tpu.memory_space<hbm>>) target_semaphore(%arg16 : memref<!tpu.dma_semaphore, #tpu.memory_space<semaphore_mem>>)
    %dma_wait3A_194 = arith.constant 384 : i32
    %dma_wait3A_195 = arith.constant 0 : i32
    %dma_wait3A_196 = tpu.memref_slice %arg6[%dma_wait3A_194, %dma_wait3A_195] : memref<512x128xf32, #tpu.memory_space<vmem>> -> memref<64x128xf32, #tpu.memory_space<vmem>>
    %dma_wait3A_197 = arith.constant 384 : i32
    %dma_wait3A_198 = tpu.memref_slice %arg5[%dma_wait3A_197] : memref<512xi32, #tpu.memory_space<vmem>> -> memref<64xi32, #tpu.memory_space<vmem>>
    %dma_wait3A_199 = arith.constant 0 : i32
    %dma_wait3A_200 = arith.constant 0 : i32
    %dma_wait3A_201 = tpu.memref_slice %arg7[%dma_wait3A_199, %dma_wait3A_200] : memref<100x128xf32, #tpu.memory_space<vmem_shared>> -> memref<100x128xf32, #tpu.memory_space<vmem_shared>>
    tpu.wait_indirect_dma semaphore(%arg14 : memref<!tpu.dma_semaphore, #tpu.memory_space<semaphore_mem>>) src(%dma_wait3A_201 : memref<100x128xf32, #tpu.memory_space<vmem_shared>>) dst(%dma_wait3A_196 : memref<64x128xf32, #tpu.memory_space<vmem>>)
    %dma_start3A_202 = arith.constant 384 : i32
    %dma_start3A_203 = arith.constant 0 : i32
    %dma_start3A_204 = tpu.memref_slice %arg6[%dma_start3A_202, %dma_start3A_203] : memref<512x128xf32, #tpu.memory_space<vmem>> -> memref<64x128xf32, #tpu.memory_space<vmem>>
    %dma_start3A_205 = arith.constant 0 : i32
    %dma_start3A_206 = tpu.memref_slice %arg4[%add3A_21, %dma_start3A_205] : memref<16384x128xf32, #tpu.memory_space<hbm>> -> memref<64x128xf32, #tpu.memory_space<hbm>>
    %dma_start3A_207 = arith.constant 0 : i32
    %dma_start3A_208 = tpu.memref_slice %arg4[%add3A_21, %dma_start3A_207] : memref<16384x128xf32, #tpu.memory_space<hbm>> -> memref<64x128xf32, #tpu.memory_space<hbm>>
    %dma_start3A_209 = arith.constant 384 : i32
    %dma_start3A_210 = arith.constant 0 : i32
    %dma_start3A_211 = tpu.memref_slice %arg6[%dma_start3A_209, %dma_start3A_210] : memref<512x128xf32, #tpu.memory_space<vmem>> -> memref<64x128xf32, #tpu.memory_space<vmem>>
    tpu.enqueue_dma source(%dma_start3A_211 : memref<64x128xf32, #tpu.memory_space<vmem>>) target(%dma_start3A_208 : memref<64x128xf32, #tpu.memory_space<hbm>>) target_semaphore(%arg16 : memref<!tpu.dma_semaphore, #tpu.memory_space<semaphore_mem>>)
    %dma_wait3A_212 = arith.constant 448 : i32
    %dma_wait3A_213 = arith.constant 0 : i32
    %dma_wait3A_214 = tpu.memref_slice %arg6[%dma_wait3A_212, %dma_wait3A_213] : memref<512x128xf32, #tpu.memory_space<vmem>> -> memref<64x128xf32, #tpu.memory_space<vmem>>
    %dma_wait3A_215 = arith.constant 448 : i32
    %dma_wait3A_216 = tpu.memref_slice %arg5[%dma_wait3A_215] : memref<512xi32, #tpu.memory_space<vmem>> -> memref<64xi32, #tpu.memory_space<vmem>>
    %dma_wait3A_217 = arith.constant 0 : i32
    %dma_wait3A_218 = arith.constant 0 : i32
    %dma_wait3A_219 = tpu.memref_slice %arg7[%dma_wait3A_217, %dma_wait3A_218] : memref<100x128xf32, #tpu.memory_space<vmem_shared>> -> memref<100x128xf32, #tpu.memory_space<vmem_shared>>
    tpu.wait_indirect_dma semaphore(%arg15 : memref<!tpu.dma_semaphore, #tpu.memory_space<semaphore_mem>>) src(%dma_wait3A_219 : memref<100x128xf32, #tpu.memory_space<vmem_shared>>) dst(%dma_wait3A_214 : memref<64x128xf32, #tpu.memory_space<vmem>>)
    %dma_start3A_220 = arith.constant 448 : i32
    %dma_start3A_221 = arith.constant 0 : i32
    %dma_start3A_222 = tpu.memref_slice %arg6[%dma_start3A_220, %dma_start3A_221] : memref<512x128xf32, #tpu.memory_space<vmem>> -> memref<64x128xf32, #tpu.memory_space<vmem>>
    %dma_start3A_223 = arith.constant 0 : i32
    %dma_start3A_224 = tpu.memref_slice %arg4[%add3A_23, %dma_start3A_223] : memref<16384x128xf32, #tpu.memory_space<hbm>> -> memref<64x128xf32, #tpu.memory_space<hbm>>
    %dma_start3A_225 = arith.constant 0 : i32
    %dma_start3A_226 = tpu.memref_slice %arg4[%add3A_23, %dma_start3A_225] : memref<16384x128xf32, #tpu.memory_space<hbm>> -> memref<64x128xf32, #tpu.memory_space<hbm>>
    %dma_start3A_227 = arith.constant 448 : i32
    %dma_start3A_228 = arith.constant 0 : i32
    %dma_start3A_229 = tpu.memref_slice %arg6[%dma_start3A_227, %dma_start3A_228] : memref<512x128xf32, #tpu.memory_space<vmem>> -> memref<64x128xf32, #tpu.memory_space<vmem>>
    tpu.enqueue_dma source(%dma_start3A_229 : memref<64x128xf32, #tpu.memory_space<vmem>>) target(%dma_start3A_226 : memref<64x128xf32, #tpu.memory_space<hbm>>) target_semaphore(%arg16 : memref<!tpu.dma_semaphore, #tpu.memory_space<semaphore_mem>>)
    %dma_wait3A_230 = arith.constant 0 : i32
    %dma_wait3A_231 = arith.constant 0 : i32
    %dma_wait3A_232 = tpu.memref_slice %arg6[%dma_wait3A_230, %dma_wait3A_231] : memref<512x128xf32, #tpu.memory_space<vmem>> -> memref<64x128xf32, #tpu.memory_space<vmem>>
    %dma_wait3A_233 = arith.constant 0 : i32
    %dma_wait3A_234 = tpu.memref_slice %arg4[%add3A_9, %dma_wait3A_233] : memref<16384x128xf32, #tpu.memory_space<hbm>> -> memref<64x128xf32, #tpu.memory_space<hbm>>
    %dma_wait3A_235 = arith.constant 0 : i32
    %dma_wait3A_236 = tpu.memref_slice %arg4[%add3A_9, %dma_wait3A_235] : memref<16384x128xf32, #tpu.memory_space<hbm>> -> memref<64x128xf32, #tpu.memory_space<hbm>>
    %dma_wait3A_237 = arith.constant 0 : i32
    %dma_wait3A_238 = arith.constant 0 : i32
    %dma_wait3A_239 = tpu.memref_slice %arg6[%dma_wait3A_237, %dma_wait3A_238] : memref<512x128xf32, #tpu.memory_space<vmem>> -> memref<64x128xf32, #tpu.memory_space<vmem>>
    tpu.wait_dma2 semaphore(%arg16 : memref<!tpu.dma_semaphore, #tpu.memory_space<semaphore_mem>>) src(%dma_wait3A_239 : memref<64x128xf32, #tpu.memory_space<vmem>>) dst(%dma_wait3A_236 : memref<64x128xf32, #tpu.memory_space<hbm>>)
    %dma_wait3A_240 = arith.constant 64 : i32
    %dma_wait3A_241 = arith.constant 0 : i32
    %dma_wait3A_242 = tpu.memref_slice %arg6[%dma_wait3A_240, %dma_wait3A_241] : memref<512x128xf32, #tpu.memory_space<vmem>> -> memref<64x128xf32, #tpu.memory_space<vmem>>
    %dma_wait3A_243 = arith.constant 0 : i32
    %dma_wait3A_244 = tpu.memref_slice %arg4[%add3A_11, %dma_wait3A_243] : memref<16384x128xf32, #tpu.memory_space<hbm>> -> memref<64x128xf32, #tpu.memory_space<hbm>>
    %dma_wait3A_245 = arith.constant 0 : i32
    %dma_wait3A_246 = tpu.memref_slice %arg4[%add3A_11, %dma_wait3A_245] : memref<16384x128xf32, #tpu.memory_space<hbm>> -> memref<64x128xf32, #tpu.memory_space<hbm>>
    %dma_wait3A_247 = arith.constant 64 : i32
    %dma_wait3A_248 = arith.constant 0 : i32
    %dma_wait3A_249 = tpu.memref_slice %arg6[%dma_wait3A_247, %dma_wait3A_248] : memref<512x128xf32, #tpu.memory_space<vmem>> -> memref<64x128xf32, #tpu.memory_space<vmem>>
    tpu.wait_dma2 semaphore(%arg16 : memref<!tpu.dma_semaphore, #tpu.memory_space<semaphore_mem>>) src(%dma_wait3A_249 : memref<64x128xf32, #tpu.memory_space<vmem>>) dst(%dma_wait3A_246 : memref<64x128xf32, #tpu.memory_space<hbm>>)
    %dma_wait3A_250 = arith.constant 128 : i32
    %dma_wait3A_251 = arith.constant 0 : i32
    %dma_wait3A_252 = tpu.memref_slice %arg6[%dma_wait3A_250, %dma_wait3A_251] : memref<512x128xf32, #tpu.memory_space<vmem>> -> memref<64x128xf32, #tpu.memory_space<vmem>>
    %dma_wait3A_253 = arith.constant 0 : i32
    %dma_wait3A_254 = tpu.memref_slice %arg4[%add3A_13, %dma_wait3A_253] : memref<16384x128xf32, #tpu.memory_space<hbm>> -> memref<64x128xf32, #tpu.memory_space<hbm>>
    %dma_wait3A_255 = arith.constant 0 : i32
    %dma_wait3A_256 = tpu.memref_slice %arg4[%add3A_13, %dma_wait3A_255] : memref<16384x128xf32, #tpu.memory_space<hbm>> -> memref<64x128xf32, #tpu.memory_space<hbm>>
    %dma_wait3A_257 = arith.constant 128 : i32
    %dma_wait3A_258 = arith.constant 0 : i32
    %dma_wait3A_259 = tpu.memref_slice %arg6[%dma_wait3A_257, %dma_wait3A_258] : memref<512x128xf32, #tpu.memory_space<vmem>> -> memref<64x128xf32, #tpu.memory_space<vmem>>
    tpu.wait_dma2 semaphore(%arg16 : memref<!tpu.dma_semaphore, #tpu.memory_space<semaphore_mem>>) src(%dma_wait3A_259 : memref<64x128xf32, #tpu.memory_space<vmem>>) dst(%dma_wait3A_256 : memref<64x128xf32, #tpu.memory_space<hbm>>)
    %dma_wait3A_260 = arith.constant 192 : i32
    %dma_wait3A_261 = arith.constant 0 : i32
    %dma_wait3A_262 = tpu.memref_slice %arg6[%dma_wait3A_260, %dma_wait3A_261] : memref<512x128xf32, #tpu.memory_space<vmem>> -> memref<64x128xf32, #tpu.memory_space<vmem>>
    %dma_wait3A_263 = arith.constant 0 : i32
    %dma_wait3A_264 = tpu.memref_slice %arg4[%add3A_15, %dma_wait3A_263] : memref<16384x128xf32, #tpu.memory_space<hbm>> -> memref<64x128xf32, #tpu.memory_space<hbm>>
    %dma_wait3A_265 = arith.constant 0 : i32
    %dma_wait3A_266 = tpu.memref_slice %arg4[%add3A_15, %dma_wait3A_265] : memref<16384x128xf32, #tpu.memory_space<hbm>> -> memref<64x128xf32, #tpu.memory_space<hbm>>
    %dma_wait3A_267 = arith.constant 192 : i32
    %dma_wait3A_268 = arith.constant 0 : i32
    %dma_wait3A_269 = tpu.memref_slice %arg6[%dma_wait3A_267, %dma_wait3A_268] : memref<512x128xf32, #tpu.memory_space<vmem>> -> memref<64x128xf32, #tpu.memory_space<vmem>>
    tpu.wait_dma2 semaphore(%arg16 : memref<!tpu.dma_semaphore, #tpu.memory_space<semaphore_mem>>) src(%dma_wait3A_269 : memref<64x128xf32, #tpu.memory_space<vmem>>) dst(%dma_wait3A_266 : memref<64x128xf32, #tpu.memory_space<hbm>>)
    %dma_wait3A_270 = arith.constant 256 : i32
    %dma_wait3A_271 = arith.constant 0 : i32
    %dma_wait3A_272 = tpu.memref_slice %arg6[%dma_wait3A_270, %dma_wait3A_271] : memref<512x128xf32, #tpu.memory_space<vmem>> -> memref<64x128xf32, #tpu.memory_space<vmem>>
    %dma_wait3A_273 = arith.constant 0 : i32
    %dma_wait3A_274 = tpu.memref_slice %arg4[%add3A_17, %dma_wait3A_273] : memref<16384x128xf32, #tpu.memory_space<hbm>> -> memref<64x128xf32, #tpu.memory_space<hbm>>
    %dma_wait3A_275 = arith.constant 0 : i32
    %dma_wait3A_276 = tpu.memref_slice %arg4[%add3A_17, %dma_wait3A_275] : memref<16384x128xf32, #tpu.memory_space<hbm>> -> memref<64x128xf32, #tpu.memory_space<hbm>>
    %dma_wait3A_277 = arith.constant 256 : i32
    %dma_wait3A_278 = arith.constant 0 : i32
    %dma_wait3A_279 = tpu.memref_slice %arg6[%dma_wait3A_277, %dma_wait3A_278] : memref<512x128xf32, #tpu.memory_space<vmem>> -> memref<64x128xf32, #tpu.memory_space<vmem>>
    tpu.wait_dma2 semaphore(%arg16 : memref<!tpu.dma_semaphore, #tpu.memory_space<semaphore_mem>>) src(%dma_wait3A_279 : memref<64x128xf32, #tpu.memory_space<vmem>>) dst(%dma_wait3A_276 : memref<64x128xf32, #tpu.memory_space<hbm>>)
    %dma_wait3A_280 = arith.constant 320 : i32
    %dma_wait3A_281 = arith.constant 0 : i32
    %dma_wait3A_282 = tpu.memref_slice %arg6[%dma_wait3A_280, %dma_wait3A_281] : memref<512x128xf32, #tpu.memory_space<vmem>> -> memref<64x128xf32, #tpu.memory_space<vmem>>
    %dma_wait3A_283 = arith.constant 0 : i32
    %dma_wait3A_284 = tpu.memref_slice %arg4[%add3A_19, %dma_wait3A_283] : memref<16384x128xf32, #tpu.memory_space<hbm>> -> memref<64x128xf32, #tpu.memory_space<hbm>>
    %dma_wait3A_285 = arith.constant 0 : i32
    %dma_wait3A_286 = tpu.memref_slice %arg4[%add3A_19, %dma_wait3A_285] : memref<16384x128xf32, #tpu.memory_space<hbm>> -> memref<64x128xf32, #tpu.memory_space<hbm>>
    %dma_wait3A_287 = arith.constant 320 : i32
    %dma_wait3A_288 = arith.constant 0 : i32
    %dma_wait3A_289 = tpu.memref_slice %arg6[%dma_wait3A_287, %dma_wait3A_288] : memref<512x128xf32, #tpu.memory_space<vmem>> -> memref<64x128xf32, #tpu.memory_space<vmem>>
    tpu.wait_dma2 semaphore(%arg16 : memref<!tpu.dma_semaphore, #tpu.memory_space<semaphore_mem>>) src(%dma_wait3A_289 : memref<64x128xf32, #tpu.memory_space<vmem>>) dst(%dma_wait3A_286 : memref<64x128xf32, #tpu.memory_space<hbm>>)
    %dma_wait3A_290 = arith.constant 384 : i32
    %dma_wait3A_291 = arith.constant 0 : i32
    %dma_wait3A_292 = tpu.memref_slice %arg6[%dma_wait3A_290, %dma_wait3A_291] : memref<512x128xf32, #tpu.memory_space<vmem>> -> memref<64x128xf32, #tpu.memory_space<vmem>>
    %dma_wait3A_293 = arith.constant 0 : i32
    %dma_wait3A_294 = tpu.memref_slice %arg4[%add3A_21, %dma_wait3A_293] : memref<16384x128xf32, #tpu.memory_space<hbm>> -> memref<64x128xf32, #tpu.memory_space<hbm>>
    %dma_wait3A_295 = arith.constant 0 : i32
    %dma_wait3A_296 = tpu.memref_slice %arg4[%add3A_21, %dma_wait3A_295] : memref<16384x128xf32, #tpu.memory_space<hbm>> -> memref<64x128xf32, #tpu.memory_space<hbm>>
    %dma_wait3A_297 = arith.constant 384 : i32
    %dma_wait3A_298 = arith.constant 0 : i32
    %dma_wait3A_299 = tpu.memref_slice %arg6[%dma_wait3A_297, %dma_wait3A_298] : memref<512x128xf32, #tpu.memory_space<vmem>> -> memref<64x128xf32, #tpu.memory_space<vmem>>
    tpu.wait_dma2 semaphore(%arg16 : memref<!tpu.dma_semaphore, #tpu.memory_space<semaphore_mem>>) src(%dma_wait3A_299 : memref<64x128xf32, #tpu.memory_space<vmem>>) dst(%dma_wait3A_296 : memref<64x128xf32, #tpu.memory_space<hbm>>)
    %dma_wait3A_300 = arith.constant 448 : i32
    %dma_wait3A_301 = arith.constant 0 : i32
    %dma_wait3A_302 = tpu.memref_slice %arg6[%dma_wait3A_300, %dma_wait3A_301] : memref<512x128xf32, #tpu.memory_space<vmem>> -> memref<64x128xf32, #tpu.memory_space<vmem>>
    %dma_wait3A_303 = arith.constant 0 : i32
    %dma_wait3A_304 = tpu.memref_slice %arg4[%add3A_23, %dma_wait3A_303] : memref<16384x128xf32, #tpu.memory_space<hbm>> -> memref<64x128xf32, #tpu.memory_space<hbm>>
    %dma_wait3A_305 = arith.constant 0 : i32
    %dma_wait3A_306 = tpu.memref_slice %arg4[%add3A_23, %dma_wait3A_305] : memref<16384x128xf32, #tpu.memory_space<hbm>> -> memref<64x128xf32, #tpu.memory_space<hbm>>
    %dma_wait3A_307 = arith.constant 448 : i32
    %dma_wait3A_308 = arith.constant 0 : i32
    %dma_wait3A_309 = tpu.memref_slice %arg6[%dma_wait3A_307, %dma_wait3A_308] : memref<512x128xf32, #tpu.memory_space<vmem>> -> memref<64x128xf32, #tpu.memory_space<vmem>>
    tpu.wait_dma2 semaphore(%arg16 : memref<!tpu.dma_semaphore, #tpu.memory_space<semaphore_mem>>) src(%dma_wait3A_309 : memref<64x128xf32, #tpu.memory_space<vmem>>) dst(%dma_wait3A_306 : memref<64x128xf32, #tpu.memory_space<hbm>>)
    return
  }
}

module attributes {stable_mosaic.version = 14 : i64} {
  func.func @_project_body(%arg0: memref<100x128xf32, #tpu.memory_space<vmem>>, %arg1: memref<128x128xf32, #tpu.memory_space<vmem>>, %arg2: memref<1x128xf32, #tpu.memory_space<vmem>>, %arg3: memref<100x128xf32, #tpu.memory_space<vmem>>) attributes {dimension_semantics = [], scalar_prefetch = 0 : i64, scratch_operands = 0 : i64, tpu.core_type = #tpu.core_type<tc>} {
    %get3A = arith.constant 0 : index
    %get3A_0 = arith.constant 0 : index
    %get3A_1 = vector.load %arg0[%get3A, %get3A_0] : memref<100x128xf32, #tpu.memory_space<vmem>>, vector<100x128xf32>
    %get3A_2 = arith.constant 0 : index
    %get3A_3 = arith.constant 0 : index
    %get3A_4 = vector.load %arg1[%get3A_2, %get3A_3] : memref<128x128xf32, #tpu.memory_space<vmem>>, vector<128x128xf32>
    %dot_general3A = arith.constant dense<0.000000e+00> : vector<100x128xf32>
    %dot_general3A_5 = tpu.matmul %get3A_1, %get3A_4, %dot_general3A {dimension_numbers = #tpu.dot_dimension_numbers<[1], [1], [0], [0], [0, 0, 1, 0], [], []>, precision = #tpu.contract_precision<fp32>, transpose_lhs_hint = false} : vector<100x128xf32>, vector<128x128xf32>, vector<100x128xf32> -> vector<100x128xf32>
    %get3A_6 = arith.constant 0 : index
    %get3A_7 = arith.constant 0 : index
    %get3A_8 = vector.load %arg2[%get3A_6, %get3A_7] : memref<1x128xf32, #tpu.memory_space<vmem>>, vector<1x128xf32>
    %add3A = vector.broadcast %get3A_8 : vector<1x128xf32> to vector<100x128xf32>
    %add3A_9 = arith.addf %dot_general3A_5, %add3A : vector<100x128xf32>
    %swap3A = arith.constant 0 : index
    %swap3A_10 = arith.constant 0 : index
    %swap3A_11 = vector.load %arg3[%swap3A, %swap3A_10] : memref<100x128xf32, #tpu.memory_space<vmem>>, vector<100x128xf32>
    tpu.vector_store %arg3[%swap3A, %swap3A_10], %add3A_9 {strides = array<i32>} : memref<100x128xf32, #tpu.memory_space<vmem>>, vector<100x128xf32>,
    return
  }
}

</mosaic_0001>

<sc_bundles>
// kernel: kernel.4.cloned.1.call-start
scs
__scs_entry_jumppad:
0x0: {  	(pc) =	sbr.rel $0x88, $3  }
0x1: {  	(tag) =	ssettag $0x0;
	lr =	simm.s32 $0x1  }
0x2: {  	[smem:$0x3F9D] =	sst lr;
	_ =	strace $0xD0000000  }
0x3: {  	_ = 	snop  }
0x4: {  	_ = 	snop  }
0x5: {  	_ = 	snop  }
0x6: {  	_ = 	snop  }
0x7: {  	_ = 	snop  }
__scs_overlays_trampoline_lowered:
0x8: {  	[smem:$0x3FAC] =	sst s0  }
0x9: {  	[smem:$0x3FAD] =	sst s1  }
0xa: {  	[smem:$0x3FAE] =	sst s2  }
0xb: {  	[smem:$0x3FAF] =	sst s3  }
0xc: {  	[smem:$0x3FB0] =	sst s4  }
0xd: {  	[smem:$0x3FB1] =	sst s5  }
0xe: {  	[smem:$0x3FB2] =	sst s6  }
0xf: {  	[smem:$0x3FB3] =	sst s7  }
0x10: {  	[smem:$0x3FB4] =	sst s8  }
0x11: {  	[smem:$0x3FB5] =	sst s9;
	s0 =	simm.s32 @!p0 $0x0  }
0x12: {  	s1 =	sld [smem:$0x3F9B];
	s0 =	simm.s32 @p0 $0x1  }
0x13: {  	[smem:$0x3FB6] =	sst s0;
	s0 =	simm.s32 @!p1 $0x0  }
0x14: {  	s2 =	sld [smem:$0x3F9A];
	s0 =	simm.s32 @p1 $0x1  }
0x15: {  	[smem:$0x3FB7] =	sst s0;
	s0 =	simm.s32 @!p2 $0x0  }
0x16: {  	s3 =	sld [smem:$0x3FDB];
	s0 =	simm.s32 @p2 $0x1  }
0x17: {  	s4 =	simm.s32 $0x1BF5;
	[smem:$0x3FB9] =	sst s0  }
0x18: {  	s0 =	sld [smem:$0x3F9C];
	_ =	swait.ge [sflag:s4], $0x0  }
0x19: {  	s7 =	sld [smem:$0x3F9D]  }
0x1a: {  	s8 =	sadd.s32 $0xFFFFE003, lr  }
0x1b: {  	s9 =	sadd.s32 $0xFFFFFEF7, lr;
	s5 =	simm.s32 $0xFFFFFFFF;
	p2 =	slt.u32 s8, $0xFFFFF086  }
0x1c: {  	p1 =	slt.u32 s9, $0xF7A;
	s5 =	simm.s32 @!p2 $0x0  }
0x1d: {  	s5 =	simm.s32 @p1 $0x1;
	p0 =	seq.s32 s7, s2  }
0x1e: {  	s7 =	smul.u32 @!p0 $0xF7A, s2;
	p2 =	seq.s32 @!p0 s5, $0x0  }
0x1f: {  	s9 =	smul.u32 $0xF7A, s1;
	s8 =	simm.s32 @!p0 $0x1BF5;
	p2 =	por !p2, p0  }
0x20: {  	[sflag:s8] =	ssyncset.s32 @!p0 $0xFFFFF086;
	s6 =	sadd.s32 @!p0 s3, s7;
	s7 =	simm.s32 @!p0 $0x108  }
0x21: {  	s3 =	sadd.s32 s3, s9;
	s6 =	sadd.s32 @!p0 $0x88, s6;
	s7 =	simm.s32 @p2 $0x1082  }
0x22: {  	[simem:s7], [sflag:s8] =	dma.local @!p0 [hbm:s6], $0xF7A  }
0x23: {  	s9 =	sor.u32 $0xD0000000, s2;
	s6 =	simm.s32 $0x108;
	_ =	swait.ge @!p0 [sflag:s8], $0x0  }
0x24: {  	s3 =	sadd.s32 $0x88, s3;
	s6 =	simm.s32 @!p1 $0x1082;
	[sflag:s4] =	ssyncset.s32 $0xFFFFF086  }
0x25: {  	[simem:s6], [sflag:s4] =	dma.local [hbm:s3], $0xF7A  }
0x26: {  	[smem:$0x3F9D] =	sst s1;
	(tag) =	ssettag s2;
	_ =	strace s9  }
0x27: {  	s1 =	sld [smem:$0x3FAD]  }
0x28: {  	s2 =	sld [smem:$0x3FAE]  }
0x29: {  	s4 =	sld [smem:$0x3FB0]  }
0x2a: {  	p0 =	seq.s32 s5, $0x0;
	s5 =	sld [smem:$0x3FB1]  }
0x2b: {  	s6 =	sld [smem:$0x3FB2]  }
0x2c: {  	s7 =	sld [smem:$0x3FB3]  }
0x2d: {  	s3 =	simm.s32 $0x108;
	s8 =	sld [smem:$0x3FB4]  }
0x2e: {  	s3 =	simm.s32 @!p0 $0x1082;
	s9 =	sld [smem:$0x3FB5]  }
0x2f: {  	lr =	sadd.s32 s0, s3;
	s0 =	sld [smem:$0x3FAC]  }
0x30: {  	s3 =	sld [smem:$0x3FAF]  }
0x31: {  	[smem:$0x3FB8] =	sst s10  }
0x32: {  	s10 =	sld [smem:$0x3FB6];
	_ =	sdelay $0x3  }
0x33: {  	p0 =	seq.s32 s10, $0x1;
	s10 =	sld [smem:$0x3FB8];
	_ =	sdelay $0x3  }
0x34: {  	[smem:$0x3FB8] =	sst s10  }
0x35: {  	s10 =	sld [smem:$0x3FB7];
	_ =	sdelay $0x3  }
0x36: {  	p1 =	seq.s32 s10, $0x1;
	s10 =	sld [smem:$0x3FB8];
	_ =	sdelay $0x3  }
0x37: {  	[smem:$0x3FB8] =	sst s10  }
0x38: {  	s10 =	sld [smem:$0x3FB9]  }
0x39: {  	_ = 	snop;
	(pc) =	sbr.ind lr, $3  }
0x3a: {  	_ = 	snop  }
0x3b: {  	_ = 	snop  }
0x3c: {  	p2 =	seq.s32 s10, $0x1;
	s10 =	sld [smem:$0x3FB8]  }
0x3d: {  	_ =	shalt  }
0x3e: {  	_ =	shalt  }
0x3f: {  	_ =	shalt  }
0x40: {  	_ =	shalt  }
0x41: {  	_ =	shalt  }
0x42: {  	_ =	shalt  }
0x43: {  	_ =	shalt  }
0x44: {  	_ =	shalt  }
0x45: {  	_ =	shalt  }
0x46: {  	_ =	shalt  }
0x47: {  	_ =	shalt  }
0x48: {  	_ =	shalt  }
0x49: {  	_ =	shalt  }
0x4a: {  	_ =	shalt  }
0x4b: {  	_ =	shalt  }
0x4c: {  	_ =	shalt  }
0x4d: {  	_ =	shalt  }
0x4e: {  	_ =	shalt  }
0x4f: {  	_ =	shalt  }
0x50: {  	_ =	shalt  }
0x51: {  	_ =	shalt  }
0x52: {  	_ =	shalt  }
0x53: {  	_ =	shalt  }
0x54: {  	_ =	shalt  }
0x55: {  	_ =	shalt  }
0x56: {  	_ =	shalt  }
0x57: {  	_ =	shalt  }
0x58: {  	_ =	shalt  }
0x59: {  	_ =	shalt  }
0x5a: {  	_ =	shalt  }
0x5b: {  	_ =	shalt  }
0x5c: {  	_ =	shalt  }
0x5d: {  	_ =	shalt  }
0x5e: {  	_ =	shalt  }
0x5f: {  	_ =	shalt  }
0x60: {  	_ =	shalt  }
0x61: {  	_ =	shalt  }
0x62: {  	_ =	shalt  }
0x63: {  	_ =	shalt  }
0x64: {  	_ =	shalt  }
0x65: {  	_ =	shalt  }
0x66: {  	_ =	shalt  }
0x67: {  	_ =	shalt  }
0x68: {  	_ =	shalt  }
0x69: {  	_ =	shalt  }
0x6a: {  	_ =	shalt  }
0x6b: {  	_ =	shalt  }
0x6c: {  	_ =	shalt  }
0x6d: {  	_ =	shalt  }
0x6e: {  	_ =	shalt  }
0x6f: {  	_ =	shalt  }
0x70: {  	_ =	shalt  }
0x71: {  	_ =	shalt  }
0x72: {  	_ =	shalt  }
0x73: {  	_ =	shalt  }
0x74: {  	_ =	shalt  }
0x75: {  	_ =	shalt  }
0x76: {  	_ =	shalt  }
0x77: {  	_ =	shalt  }
0x78: {  	_ =	shalt  }
0x79: {  	_ =	shalt  }
0x7a: {  	_ =	shalt  }
0x7b: {  	_ =	shalt  }
0x7c: {  	_ =	shalt  }
0x7d: {  	_ =	shalt  }
0x7e: {  	_ =	shalt  }
0x7f: {  	_ =	shalt  }
0x80: {  	_ =	shalt  }
0x81: {  	_ =	shalt  }
0x82: {  	_ =	shalt  }
0x83: {  	_ =	shalt  }
0x84: {  	_ =	shalt  }
0x85: {  	_ =	shalt  }
0x86: {  	_ =	shalt  }
0x87: {  	_ =	shalt  }
.Lfunc_end0:
.L_simem_size_0:
called_computation_lowered:
.L_overlay_start_0:
0x88: {  	s2 =	sld [smem:$0x3FD9]  }
0x89: {  	s3 =	sld [smem:$0x3FFE];
	_ =	sdelay $0x1  }
0x8a: {  	s1 =	srdreg.scid  }
0x8b: {  	s0 =	sand.u32 $0x1, s1  }
0x8c: {  	s17 =	sshll.u32 s0, $0xA;
	s2 =	sadd.s32 s3, s2  }
0x8d: {  	s2 =	sadd.s32 s2, s17  }
0x8e: {  	[smem:$0x3FC4] =	sst s2  }
0x8f: {  	_ = 	snop  }
0x90: {  	s2 =	sld [smem:$0x3FC9]  }
0x91: {  	s18 =	sld [smem:$0x3FD0];
	(tm) =	ssettm $0x1  }
0x92: {  	s4 =	sld [smem:$0x3FFB];
	_ =	sdelay $0x3  }
0x93: {  	_ =	strace s4  }
0x94: {  	s4 =	sld [smem:$0x3FFC];
	_ =	sdelay $0x3  }
0x95: {  	_ =	strace s4  }
0x96: {  	s4 =	sld [smem:$0x3FFD];
	_ =	sdelay $0x3  }
0x97: {  	_ =	strace s4  }
0x98: {  	_ =	strace $0x8FFFFFFF  }
0x99: {  	s19 =	sld [smem:$0x3FDB];
	_ =	sdelay $0x1  }
0x9a: {  	s5 =	simm.s32 $_scs_section_size  }
0x9b: {  	s6 =	simm.s32 $_size__tile_overlayer_lowered;
	s7 =	simm.s32 $_tile_overlayer_lowered  }
0x9c: {  	s22 =	simm.s32 $0x1BFF;
	s21 =	sshll.u32 s7, $0x1;
	s4 =	sadd.s32 s5, s19  }
0x9d: {  	s8 =	simm.s32 $0x0;
	s20 =	sshll.u32 s6, $0x1;
	s6 =	sadd.s32 s21, s4  }
0x9e: {  	[timem:s8], [sflag:s22] =	dma.local [hbm:s6], s20  }
0x9f: {  	_ =	swait.ge [sflag:s22], s20  }
0xa0: {  	s5 =	ssub.s32 $0x0, s20;
	[sflag:s22] =	ssyncset.done $0x0  }
0xa1: {  	[sflag:s22] =	ssyncadd.s32 s5;
	_ =	sdelay $0x1  }
0xa2: {  	s23 =	simm.s32 $0x1B8B  }
0xa3: {  	_ =	swait.ge [sflag:s23], $0x1  }
0xa4: {  	[sflag:s23] =	ssyncset.done $0x0  }
0xa5: {  	s25 =	simm.s32 $0x1B8E;
	s24 =	sld [smem:$0x3FFE];
	[sflag:s23] =	ssyncadd.s32 $0xFFFFFFFF  }
0xa6: {  	s26 =	simm.s32 $execute0_lowered;
	[smem:$0x3FD2] =	sst s25  }
0xa7: {  	s6 =	sshll.u32 s26, $0x1;
	_ =	strace $0x80000046;
	[dreg:$0x1] =	wrdreg $0xFFFFFFFF  }
0xa8: {  	s28 =	simm.s32 $_size_execute0_lowered;
	s4 =	sadd.s32 s4, s6;
	[dreg:$0x0] =	wrdreg $0x0  }
0xa9: {  	s6 =	sshll.u32 s28, $0x1;
	[dreg:$0x2] =	wrdreg s4  }
0xaa: {  	[dreg:$0x3] =	wrdreg s6  }
0xab: {  	[dreg:$0x4] =	wrdreg $0xC0  }
0xac: {  	_ =	task [dreg:s8], $0x5FFFF  }
0xad: {  	[dreg:$0x1] =	wrdreg $0xFFFFFFFF  }
0xae: {  	[dreg:$0x0] =	wrdreg $0x60  }
0xaf: {  	[dreg:$0x2] =	wrdreg s2  }
0xb0: {  	[dreg:$0x3] =	wrdreg s24  }
0xb1: {  	[dreg:$0x4] =	wrdreg s18  }
0xb2: {  	[dreg:$0x5] =	wrdreg $0x102000  }
0xb3: {  	[dreg:$0x6] =	wrdreg $0x9  }
0xb4: {  	_ =	task.clear_ibuf [dreg:s8], $0x7FFFF;
	_ =	strace $0x90000046  }
0xb5: {  	s29 =	simm.s32 $0x9;
	_ =	strace $0x80000048  }
0xb6: {  	_ =	swait.ge [sflag:s29], $0x1  }
0xb7: {  	[sflag:s29] =	ssyncadd.s32 $0xFFFFFFFF  }
0xb8: {  	_ =	strace $0x90000048  }
0xb9: {  	_ =	sfence  }
0xba: {  	s30 =	sld [smem:$0x0];
	_ =	sdelay $0x2  }
0xbb: {  	s31 =	sshll.u32 s1, $0xD;
	s1 =	sshrl.u32 s1, $0x2  }
0xbc: {  	s3 =	sand.u32 $0x4000, s31;
	s1 =	sadd.s32 s1, s30  }
0xbd: {  	s0 =	sor.u32 s3, s0;
	s1 =	sshll.u32 s1, $0x11  }
0xbe: {  	s0 =	sor.u32 s1, s0  }
0xbf: {  	s0 =	sadd.s32 $0x8F2B, s0  }
0xc0: {  	[sflag:s0] =	ssyncadd.remote.s32 $0x1  }
0xc1: {  	_ =	sfence.sel $0xFFFF  }
0xc2: {  	[dreg:$0x0] =	wrdreg $0xFFFFFFFF;
	(pc) =	sbr.abs _section_cstart, $3  }
0xc3: {  	[dreg:$0x1] =	wrdreg $0xFFFFFFFF  }
0xc4: {  	_ =	task.clear_ibuf [dreg:s8], $0x2FFFF;
	_ =	strace $0x9FFFFFFF  }
0xc5: {  	(tm) =	ssettm $0x7FFFFFFF  }
tec
execute0_lowered:
.L_overlay_start_1:
0x0: {  	(tag) =	ssettag $0x1  }
0x1: {  	s3 =	rddreg [dreg:$0x0]  }
0x2: {  	s4 =	rddreg [dreg:$0x1]  }
0x3: {  	s5 =	rddreg [dreg:$0x2]  }
0x4: {  	s1 =	rddreg [dreg:$0x3]  }
0x5: {  	s0 =	srdreg.scid;
	s2 =	simm.s32 $0x0;
	s6 =	stileid.u32  }
0x6: {  	s25 =	simm.s32 $0x80;
	s26 =	simm.s32 $0xC0;
	s0 =	sand.u32 $0x1, s0  }
0x7: {  	[smem:$0x7FF] =	sst s2;
	s7 =	sshll.u32 s6, $0xA;
	s4 =	sadd.s32 $0xC00, s4  }
0x8: {  	s8 =	sshll.u32 s0, $0x9;
	_ =	strace $0x80000047;
	[dreg:$0x5] =	wrdreg s4  }
0x9: {  	s16 =	sshll.u32 s0, $0x6;
	[dreg:$0x10] =	wrdreg s25;
	s7 =	sor.u32 s8, s7  }
0xa: {  	[dreg:$0x11] =	wrdreg s26;
	s17 =	sadd.s32 s3, s16;
	s15 =	sshrl.u32 s7, $0x3  }
0xb: {  	s7 =	sshll.u32 s7, $0x4;
	[dreg:$0x7] =	wrdreg s17;
	s4 =	sadd.s32 s3, s15  }
0xc: {  	s3 =	sadd.s32 s5, s7;
	s5 =	simm.s32 $0x100;
	[dreg:$0x6] =	wrdreg s4  }
0xd: {  	s18 =	sadd.s32 $0x400, s3;
	[dreg:$0x12] =	wrdreg s5  }
0xe: {  	s19 =	sadd.s32 $0x800, s3;
	[dreg:$0x8] =	wrdreg s18  }
0xf: {  	s20 =	sadd.s32 $0xC00, s3;
	[dreg:$0x9] =	wrdreg s19  }
0x10: {  	s21 =	sadd.s32 $0x1000, s3;
	[dreg:$0xa] =	wrdreg s20  }
0x11: {  	s22 =	sadd.s32 $0x1400, s3;
	[dreg:$0xb] =	wrdreg s21  }
0x12: {  	s23 =	sadd.s32 $0x1800, s3;
	[dreg:$0xc] =	wrdreg s22  }
0x13: {  	p0 =	sne.s32 s6, $0x0;
	s24 =	sadd.s32 $0x1C00, s3;
	[dreg:$0xd] =	wrdreg s23  }
0x14: {  	s4 =	sshrl.u32 @!p0 s1, $0x3;
	[dreg:$0xe] =	wrdreg s24  }
0x15: {  	[dreg:$0xf] =	wrdreg s4  }
0x16: {  	s5 =	simm.s32 @p0 $0xB;
	s6 =	rddreg [dreg:$0x6];
	s4 =	simm.s32 @p0 $0x0  }
0x17: {  	[tilespmem:s4], [sflag:$0xB] =	stream.linear.gather @p0 [hbm4b:s6+s4], $0x200, $0x38;
	[tilespmem:$0x10520] =	vst v63  }
0x18: {  	_ =	swait.ge @p0 [sflag:s5], $0x200  }
0x19: {  	s7 =	rddreg [dreg:$0x5];
	[sflag:s5] =	ssyncset.done @p0 $0x0  }
0x1a: {  	s4 =	simm.s32 @!p0 $0x1C0A;
	s8 =	rddreg [dreg:$0xf];
	[sflag:s5] =	ssyncadd.s32 @p0 $0xFFFFFE00  }
0x1b: {  	[spmem:s8], [sflag:s4] =	dma.local @!p0 [hbm:s7], $0x640  }
0x1c: {  	s4 =	simm.s32 @!p0 $0x0;
	s8 =	simm.s32 @!p0 $0xB;
	s9 =	rddreg [dreg:$0x7]  }
0x1d: {  	[tilespmem:s4], [sflag:$0xB] =	stream.linear.gather @!p0 [hbm4b:s9+s4], $0x200, $0x38;
	[tilespmem:$0x10520] =	vst v63  }
0x1e: {  	_ =	swait.ge @!p0 [sflag:s8], $0x200  }
0x1f: {  	[sflag:s8] =	ssyncset.done @!p0 $0x0  }
0x20: {  	s9 =	simm.s32 @!p0 $0xA;
	[sflag:s8] =	ssyncadd.s32 @!p0 $0xFFFFFE00  }
0x21: {  	_ =	swait.ge @!p0 [sflag:s9], $0x640  }
0x22: {  	[sflag:s9] =	ssyncset.done @!p0 $0x0  }
0x23: {  	[sflag:s9] =	ssyncadd.s32 @!p0 $0xFFFFF9C0  }
0x24: {  	s10 =	simm.s32 $0x40;
	s11 =	simm.s32 $0x200;
	[bflag:$0x0] =	sbarrier.arrive $0xFFFF  }
0x25: {  	[tilespmem:s11], [sflag:$0x1] =	stream.indirect.gather [spmem:s1], $0x80, s2, s10, $0xb8;
	[tilespmem:$0x10520] =	vst v63  }
0x26: {  	s12 =	simm.s32 $0x2200  }
0x27: {  	[tilespmem:s12], [sflag:$0x2] =	stream.indirect.gather [spmem:s1], $0x80, s10, s10, $0xb8;
	[tilespmem:$0x10520] =	vst v63  }
0x28: {  	s13 =	simm.s32 $0x4200;
	s14 =	rddreg [dreg:$0x10]  }
0x29: {  	[tilespmem:s13], [sflag:$0x3] =	stream.indirect.gather [spmem:s1], $0x80, s14, s10, $0xb8;
	[tilespmem:$0x10520] =	vst v63  }
0x2a: {  	s15 =	rddreg [dreg:$0x11];
	s14 =	simm.s32 $0x6200  }
0x2b: {  	[tilespmem:s14], [sflag:$0x4] =	stream.indirect.gather [spmem:s1], $0x80, s15, s10, $0xb8;
	[tilespmem:$0x10520] =	vst v63  }
0x2c: {  	s16 =	rddreg [dreg:$0x12];
	s15 =	simm.s32 $0x8200  }
0x2d: {  	[tilespmem:s15], [sflag:$0x5] =	stream.indirect.gather [spmem:s1], $0x80, s16, s10, $0xb8;
	[tilespmem:$0x10520] =	vst v63  }
0x2e: {  	s17 =	simm.s32 $0xA200;
	s16 =	simm.s32 $0x140  }
0x2f: {  	[tilespmem:s17], [sflag:$0x6] =	stream.indirect.gather [spmem:s1], $0x80, s16, s10, $0xb8;
	[tilespmem:$0x10520] =	vst v63  }
0x30: {  	s18 =	simm.s32 $0x180;
	s19 =	simm.s32 $0xC200  }
0x31: {  	[tilespmem:s19], [sflag:$0x7] =	stream.indirect.gather [spmem:s1], $0x80, s18, s10, $0xb8;
	[tilespmem:$0x10520] =	vst v63  }
0x32: {  	s20 =	simm.s32 $0x1C0;
	s21 =	simm.s32 $0xE200;
	s22 =	simm.s32 $0x1  }
0x33: {  	[tilespmem:s21], [sflag:$0x8] =	stream.indirect.gather [spmem:s1], $0x80, s20, s10, $0xb8;
	[tilespmem:$0x10520] =	vst v63  }
0x34: {  	_ =	swait.ge [sflag:s22], $0x2000  }
0x35: {  	[sflag:s22] =	ssyncset.done $0x0  }
0x36: {  	s23 =	simm.s32 $0x2;
	[sflag:s22] =	ssyncadd.s32 $0xFFFFE000  }
0x37: {  	[hbm4b:s3+s2] =	stream.linear.scatter [tilespmem:s11], [sflag:$0x9], $0x2000, $0x38;
	[tilespmem:$0x10520] =	vst v63  }
0x38: {  	_ =	swait.ge [sflag:s23], $0x2000  }
0x39: {  	[sflag:s23] =	ssyncset.done $0x0  }
0x3a: {  	s24 =	rddreg [dreg:$0x8];
	[sflag:s23] =	ssyncadd.s32 $0xFFFFE000  }
0x3b: {  	[hbm4b:s24+s2] =	stream.linear.scatter [tilespmem:s12], [sflag:$0x9], $0x2000, $0x38;
	[tilespmem:$0x10520] =	vst v63  }
0x3c: {  	s24 =	simm.s32 $0x3  }
0x3d: {  	_ =	swait.ge [sflag:s24], $0x2000  }
0x3e: {  	[sflag:s24] =	ssyncset.done $0x0  }
0x3f: {  	s25 =	rddreg [dreg:$0x9];
	[sflag:s24] =	ssyncadd.s32 $0xFFFFE000  }
0x40: {  	[hbm4b:s25+s2] =	stream.linear.scatter [tilespmem:s13], [sflag:$0x9], $0x2000, $0x38;
	[tilespmem:$0x10520] =	vst v63  }
0x41: {  	s25 =	simm.s32 $0x4  }
0x42: {  	_ =	swait.ge [sflag:s25], $0x2000  }
0x43: {  	[sflag:s25] =	ssyncset.done $0x0  }
0x44: {  	s26 =	rddreg [dreg:$0xa];
	[sflag:s25] =	ssyncadd.s32 $0xFFFFE000  }
0x45: {  	[hbm4b:s26+s2] =	stream.linear.scatter [tilespmem:s14], [sflag:$0x9], $0x2000, $0x38;
	[tilespmem:$0x10520] =	vst v63  }
0x46: {  	s26 =	simm.s32 $0x5  }
0x47: {  	_ =	swait.ge [sflag:s26], $0x2000  }
0x48: {  	[sflag:s26] =	ssyncset.done $0x0  }
0x49: {  	s28 =	rddreg [dreg:$0xb];
	[sflag:s26] =	ssyncadd.s32 $0xFFFFE000  }
0x4a: {  	[hbm4b:s28+s2] =	stream.linear.scatter [tilespmem:s15], [sflag:$0x9], $0x2000, $0x38;
	[tilespmem:$0x10520] =	vst v63  }
0x4b: {  	s28 =	simm.s32 $0x6  }
0x4c: {  	_ =	swait.ge [sflag:s28], $0x2000  }
0x4d: {  	[sflag:s28] =	ssyncset.done $0x0  }
0x4e: {  	s29 =	rddreg [dreg:$0xc];
	[sflag:s28] =	ssyncadd.s32 $0xFFFFE000  }
0x4f: {  	[hbm4b:s29+s2] =	stream.linear.scatter [tilespmem:s17], [sflag:$0x9], $0x2000, $0x38;
	[tilespmem:$0x10520] =	vst v63  }
0x50: {  	s29 =	simm.s32 $0x7  }
0x51: {  	_ =	swait.ge [sflag:s29], $0x2000  }
0x52: {  	[sflag:s29] =	ssyncset.done $0x0  }
0x53: {  	s30 =	rddreg [dreg:$0xd];
	[sflag:s29] =	ssyncadd.s32 $0xFFFFE000  }
0x54: {  	[hbm4b:s30+s2] =	stream.linear.scatter [tilespmem:s19], [sflag:$0x9], $0x2000, $0x38;
	[tilespmem:$0x10520] =	vst v63  }
0x55: {  	s30 =	simm.s32 $0x8  }
0x56: {  	_ =	swait.ge [sflag:s30], $0x2000  }
0x57: {  	[sflag:s30] =	ssyncset.done $0x0  }
0x58: {  	s31 =	rddreg [dreg:$0xe];
	[sflag:s30] =	ssyncadd.s32 $0xFFFFE000  }
0x59: {  	[hbm4b:s31+s2] =	stream.linear.scatter [tilespmem:s21], [sflag:$0x9], $0x2000, $0x38;
	[tilespmem:$0x10520] =	vst v63  }
0x5a: {  	s31 =	simm.s32 $0x9  }
0x5b: {  	_ =	swait.ge [sflag:s31], $0x2000  }
0x5c: {  	[sflag:s31] =	ssyncset.done $0x0  }
0x5d: {  	[sflag:s31] =	ssyncadd.s32 $0xFFFFE000  }
0x5e: {  	_ =	swait.ge [sflag:s31], $0x2000  }
0x5f: {  	[sflag:s31] =	ssyncset.done $0x0  }
0x60: {  	[sflag:s31] =	ssyncadd.s32 $0xFFFFE000  }
0x61: {  	_ =	swait.ge [sflag:s31], $0x2000  }
0x62: {  	[sflag:s31] =	ssyncset.done $0x0  }
0x63: {  	[sflag:s31] =	ssyncadd.s32 $0xFFFFE000  }
0x64: {  	_ =	swait.ge [sflag:s31], $0x2000  }
0x65: {  	s7 =	ssub.s32 $0x2, s0;
	[sflag:s31] =	ssyncset.done $0x0  }
0x66: {  	s0 =	sshrl.u32 s7, $0x1;
	[sflag:s31] =	ssyncadd.s32 $0xFFFFE000  }
0x67: {  	s0 =	ssub.s32 s7, s0;
	_ =	swait.ge [sflag:s31], $0x2000  }
0x68: {  	s0 =	smax.u32 s0, $0x1;
	[sflag:s31] =	ssyncset.done $0x0  }
0x69: {  	s0 =	sadd.s32 $0xFFFFFFFF, s0;
	[sflag:s31] =	ssyncadd.s32 $0xFFFFE000  }
0x6a: {  	p1 =	sne.s32 s0, $0x0;
	_ =	swait.ge [sflag:s31], $0x2000  }
.Ltmp0:
0x6b: {  	[sflag:s31] =	ssyncset.done $0x0;
	(pc) =	sbr.rel @!p1 .LBB2_2-.Ltmp0, $4  }
0x6c: {  	[sflag:s31] =	ssyncadd.s32 $0xFFFFE000  }
0x6d: {  	_ =	swait.ge [sflag:s31], $0x2000  }
0x6e: {  	[sflag:s31] =	ssyncset.done $0x0  }
0x6f: {  	[sflag:s31] =	ssyncadd.s32 $0xFFFFE000  }
.LBB2_1:
0x70: {  	_ =	swait.ge [sflag:s31], $0x2000  }
0x71: {  	[sflag:s31] =	ssyncset.done $0x0  }
0x72: {  	s6 =	simm.s32 @p0 $0x0;
	s4 =	rddreg [dreg:$0x6];
	[sflag:s31] =	ssyncadd.s32 $0xFFFFE000  }
0x73: {  	[tilespmem:s6], [sflag:$0xB] =	stream.linear.gather @p0 [hbm4b:s4+s6], $0x200, $0x38;
	[tilespmem:$0x10520] =	vst v63  }
0x74: {  	_ =	swait.ge @p0 [sflag:s5], $0x200  }
0x75: {  	[sflag:s5] =	ssyncset.done @p0 $0x0;
	s4 =	rddreg [dreg:$0x5]  }
0x76: {  	s7 =	simm.s32 @!p0 $0x1C0A;
	s6 =	rddreg [dreg:$0xf];
	[sflag:s5] =	ssyncadd.s32 @p0 $0xFFFFFE00  }
0x77: {  	[spmem:s6], [sflag:s7] =	dma.local @!p0 [hbm:s4], $0x640  }
0x78: {  	s6 =	simm.s32 @!p0 $0x0;
	s4 =	rddreg [dreg:$0x7]  }
0x79: {  	[tilespmem:s6], [sflag:$0xB] =	stream.linear.gather @!p0 [hbm4b:s4+s6], $0x200, $0x38;
	[tilespmem:$0x10520] =	vst v63  }
0x7a: {  	_ =	swait.ge @!p0 [sflag:s8], $0x200  }
0x7b: {  	[sflag:s8] =	ssyncset.done @!p0 $0x0  }
0x7c: {  	[sflag:s8] =	ssyncadd.s32 @!p0 $0xFFFFFE00  }
0x7d: {  	_ =	swait.ge @!p0 [sflag:s9], $0x640  }
0x7e: {  	[sflag:s9] =	ssyncset.done @!p0 $0x0  }
0x7f: {  	[sflag:s9] =	ssyncadd.s32 @!p0 $0xFFFFF9C0  }
0x80: {  	[bflag:$0x0] =	sbarrier.arrive $0xFFFF  }
0x81: {  	[tilespmem:s11], [sflag:$0x1] =	stream.indirect.gather [spmem:s1], $0x80, s2, s10, $0xb8;
	[tilespmem:$0x10520] =	vst v63  }
0x82: {  	_ = 	snop  }
0x83: {  	[tilespmem:s12], [sflag:$0x2] =	stream.indirect.gather [spmem:s1], $0x80, s10, s10, $0xb8;
	[tilespmem:$0x10520] =	vst v63  }
0x84: {  	s7 =	rddreg [dreg:$0x10]  }
0x85: {  	[tilespmem:s13], [sflag:$0x3] =	stream.indirect.gather [spmem:s1], $0x80, s7, s10, $0xb8;
	[tilespmem:$0x10520] =	vst v63  }
0x86: {  	s6 =	rddreg [dreg:$0x11]  }
0x87: {  	[tilespmem:s14], [sflag:$0x4] =	stream.indirect.gather [spmem:s1], $0x80, s6, s10, $0xb8;
	[tilespmem:$0x10520] =	vst v63  }
0x88: {  	s7 =	rddreg [dreg:$0x12]  }
0x89: {  	[tilespmem:s15], [sflag:$0x5] =	stream.indirect.gather [spmem:s1], $0x80, s7, s10, $0xb8;
	[tilespmem:$0x10520] =	vst v63  }
0x8a: {  	_ = 	snop  }
0x8b: {  	[tilespmem:s17], [sflag:$0x6] =	stream.indirect.gather [spmem:s1], $0x80, s16, s10, $0xb8;
	[tilespmem:$0x10520] =	vst v63  }
0x8c: {  	_ = 	snop  }
0x8d: {  	[tilespmem:s19], [sflag:$0x7] =	stream.indirect.gather [spmem:s1], $0x80, s18, s10, $0xb8;
	[tilespmem:$0x10520] =	vst v63  }
0x8e: {  	_ = 	snop  }
0x8f: {  	[tilespmem:s21], [sflag:$0x8] =	stream.indirect.gather [spmem:s1], $0x80, s20, s10, $0xb8;
	[tilespmem:$0x10520] =	vst v63  }
0x90: {  	_ =	swait.ge [sflag:s22], $0x2000  }
0x91: {  	[sflag:s22] =	ssyncset.done $0x0  }
0x92: {  	[sflag:s22] =	ssyncadd.s32 $0xFFFFE000  }
0x93: {  	[hbm4b:s3+s2] =	stream.linear.scatter [tilespmem:s11], [sflag:$0x9], $0x2000, $0x38;
	[tilespmem:$0x10520] =	vst v63  }
0x94: {  	_ =	swait.ge [sflag:s23], $0x2000  }
0x95: {  	[sflag:s23] =	ssyncset.done $0x0  }
0x96: {  	s7 =	rddreg [dreg:$0x8];
	[sflag:s23] =	ssyncadd.s32 $0xFFFFE000  }
0x97: {  	[hbm4b:s7+s2] =	stream.linear.scatter [tilespmem:s12], [sflag:$0x9], $0x2000, $0x38;
	[tilespmem:$0x10520] =	vst v63  }
0x98: {  	_ =	swait.ge [sflag:s24], $0x2000  }
0x99: {  	[sflag:s24] =	ssyncset.done $0x0  }
0x9a: {  	s6 =	rddreg [dreg:$0x9];
	[sflag:s24] =	ssyncadd.s32 $0xFFFFE000  }
0x9b: {  	[hbm4b:s6+s2] =	stream.linear.scatter [tilespmem:s13], [sflag:$0x9], $0x2000, $0x38;
	[tilespmem:$0x10520] =	vst v63  }
0x9c: {  	_ =	swait.ge [sflag:s25], $0x2000  }
0x9d: {  	[sflag:s25] =	ssyncset.done $0x0  }
0x9e: {  	s7 =	rddreg [dreg:$0xa];
	[sflag:s25] =	ssyncadd.s32 $0xFFFFE000  }
0x9f: {  	[hbm4b:s7+s2] =	stream.linear.scatter [tilespmem:s14], [sflag:$0x9], $0x2000, $0x38;
	[tilespmem:$0x10520] =	vst v63  }
0xa0: {  	_ =	swait.ge [sflag:s26], $0x2000  }
0xa1: {  	[sflag:s26] =	ssyncset.done $0x0  }
0xa2: {  	s6 =	rddreg [dreg:$0xb];
	[sflag:s26] =	ssyncadd.s32 $0xFFFFE000  }
0xa3: {  	[hbm4b:s6+s2] =	stream.linear.scatter [tilespmem:s15], [sflag:$0x9], $0x2000, $0x38;
	[tilespmem:$0x10520] =	vst v63  }
0xa4: {  	_ =	swait.ge [sflag:s28], $0x2000  }
0xa5: {  	[sflag:s28] =	ssyncset.done $0x0  }
0xa6: {  	s7 =	rddreg [dreg:$0xc];
	[sflag:s28] =	ssyncadd.s32 $0xFFFFE000  }
0xa7: {  	[hbm4b:s7+s2] =	stream.linear.scatter [tilespmem:s17], [sflag:$0x9], $0x2000, $0x38;
	[tilespmem:$0x10520] =	vst v63  }
0xa8: {  	_ =	swait.ge [sflag:s29], $0x2000  }
0xa9: {  	[sflag:s29] =	ssyncset.done $0x0  }
0xaa: {  	s6 =	rddreg [dreg:$0xd];
	[sflag:s29] =	ssyncadd.s32 $0xFFFFE000  }
0xab: {  	[hbm4b:s6+s2] =	stream.linear.scatter [tilespmem:s19], [sflag:$0x9], $0x2000, $0x38;
	[tilespmem:$0x10520] =	vst v63  }
0xac: {  	_ =	swait.ge [sflag:s30], $0x2000  }
0xad: {  	[sflag:s30] =	ssyncset.done $0x0  }
0xae: {  	s7 =	rddreg [dreg:$0xe];
	[sflag:s30] =	ssyncadd.s32 $0xFFFFE000  }
0xaf: {  	[hbm4b:s7+s2] =	stream.linear.scatter [tilespmem:s21], [sflag:$0x9], $0x2000, $0x38;
	[tilespmem:$0x10520] =	vst v63  }
0xb0: {  	_ =	swait.ge [sflag:s31], $0x2000  }
0xb1: {  	[sflag:s31] =	ssyncset.done $0x0  }
0xb2: {  	[sflag:s31] =	ssyncadd.s32 $0xFFFFE000  }
0xb3: {  	_ =	swait.ge [sflag:s31], $0x2000  }
0xb4: {  	[sflag:s31] =	ssyncset.done $0x0  }
0xb5: {  	[sflag:s31] =	ssyncadd.s32 $0xFFFFE000  }
0xb6: {  	_ =	swait.ge [sflag:s31], $0x2000  }
0xb7: {  	[sflag:s31] =	ssyncset.done $0x0  }
0xb8: {  	[sflag:s31] =	ssyncadd.s32 $0xFFFFE000  }
0xb9: {  	_ =	swait.ge [sflag:s31], $0x2000  }
0xba: {  	[sflag:s31] =	ssyncset.done $0x0  }
0xbb: {  	[sflag:s31] =	ssyncadd.s32 $0xFFFFE000  }
0xbc: {  	_ =	swait.ge [sflag:s31], $0x2000  }
0xbd: {  	[sflag:s31] =	ssyncset.done $0x0  }
0xbe: {  	s0 =	sadd.s32 $0xFFFFFFFF, s0;
	[sflag:s31] =	ssyncadd.s32 $0xFFFFE000  }
0xbf: {  	p1 =	sne.s32 s0, $0x0;
	_ =	swait.ge [sflag:s31], $0x2000  }
.Ltmp1:
0xc0: {  	[sflag:s31] =	ssyncset.done $0x0;
	(pc) =	sbr.rel @p1 .LBB2_1-.Ltmp1, $4  }
0xc1: {  	[sflag:s31] =	ssyncadd.s32 $0xFFFFE000  }
0xc2: {  	_ =	swait.ge [sflag:s31], $0x2000  }
0xc3: {  	[sflag:s31] =	ssyncset.done $0x0  }
0xc4: {  	[sflag:s31] =	ssyncadd.s32 $0xFFFFE000  }
.LBB2_2:
0xc5: {  	_ =	swait.ge [sflag:s31], $0x2000  }
0xc6: {  	[sflag:s31] =	ssyncset.done $0x0  }
0xc7: {  	[sflag:s31] =	ssyncadd.s32 $0xFFFFE000  }
0xc8: {  	_ =	sfence.sel $0x180000  }
0xc9: {  	[bflag:$0x0] =	sbarrier.arrive $0xFFFF  }
0xca: {  	_ =	strace $0x90000047  }
0xcb: {  	[bflag:$0x2] =	sbarrier.arrive $0xFFFF  }
0xcc: {  	s0 =	rddreg [dreg:$0x4]  }
0xcd: {  	s0 =	sadd.s32 @!p0 $0x100000, s0  }
0xce: {  	[sflag:s0] =	ssyncadd.tile.s32 @!p0 $0x1;
	_ =	shalt  }
.Lfunc_end2:
_tile_overlayer_lowered:
.L_overlay_start_2:
0xcf: {  	(tag) =	ssettag $0x2  }
0xd0: {  	s0 =	rddreg [dreg:$0x0];
	s2 =	stileid.u32  }
0xd1: {  	s1 =	rddreg [dreg:$0x1];
	p0 =	sne.s32 s2, $0x0  }
0xd2: {  	s3 =	rddreg [dreg:$0x2];
	[bflag:$0x3] =	sbarrier.arrive $0xFFFF;
	s2 =	simm.s32 @!p0 $0x1C0B  }
0xd3: {  	[timem:s3], [sflag:s2] =	dma.local @!p0 [hbm:s0], s1  }
0xd4: {  	s0 =	simm.s32 @!p0 $0xB  }
0xd5: {  	_ =	swait.ge @!p0 [sflag:s0], s1  }
0xd6: {  	s1 =	ssub.s32 @!p0 $0x0, s1;
	[sflag:s0] =	ssyncset.done @!p0 $0x0  }
0xd7: {  	[sflag:s0] =	ssyncadd.s32 @!p0 s1  }
0xd8: {  	[bflag:$0x3] =	sbarrier.arrive $0xFFFF  }
0xd9: {  	_ =	shalt  }

</sc_bundles>
